<compile_context>
chip_gen: v7x
topology: tpu7x:2x2x1
jax: 0.10.2.dev20260603
libtpu: 0.0.44.dev20260713+nightly
codegen_flags: <defaults>
</compile_context>

<pallas_src>
import functools

import jax
import jax.numpy as jnp
from jax import lax
from jax.experimental import pallas as pl
from jax.experimental.pallas import tpu as pltpu
from jax.experimental.pallas import tpu_sc as plsc

N_IN = 6890
N_OUT = 10475
BATCH = 1024

L = 16
GRP = 419
ROWS_PER_B = N_OUT // GRP
ROW_W = GRP * 3
ROW_P = 1264
GPH = 13
VPH = GPH * GRP
VOFF_STEP = (ROWS_PER_B - GPH) * GRP
GOFF_STEP = ROWS_PER_B - GPH
VBUF = 5456
NVEC = VBUF // L
B_PER_TILE = BATCH // 16


def _spmm_sc(inp_vertices, cols_p, vals_p):
    mesh = plsc.VectorSubcoreMesh(core_axis_name="c", subcore_axis_name="s")

    @functools.partial(
        pl.kernel,
        out_type=jax.ShapeDtypeStruct((BATCH * ROWS_PER_B, ROW_P), jnp.float32),
        mesh=mesh,
        compiler_params=pltpu.CompilerParams(
            use_tc_tiling_on_sc=False, needs_layout_passes=False),
        scratch_types=[
            pltpu.VMEM((3, VBUF), jnp.int32),
            pltpu.VMEM((3, VBUF), jnp.float32),
            pltpu.VMEM((N_IN * 3,), jnp.float32),
            pltpu.VMEM((N_IN * 3,), jnp.float32),
            pltpu.VMEM((GPH, ROW_P), jnp.float32),
            pltpu.VMEM((GPH, ROW_P), jnp.float32),
            pltpu.VMEM((GPH,), jnp.int32),
            pltpu.VMEM((GPH,), jnp.int32),
            pltpu.SemaphoreType.DMA,
            pltpu.SemaphoreType.DMA,
            pltpu.SemaphoreType.DMA,
            pltpu.SemaphoreType.DMA,
        ],
    )
    def k(inp_hbm, cols_hbm, vals_hbm, out_hbm,
          cols_v, vals_v, inp_v0, inp_v1, out_v0, out_v1, idx_v0, idx_v1,
          in_s0, in_s1, out_s0, out_s1):
        bg = lax.axis_index("s")
        vh = lax.axis_index("c")
        b0 = bg * B_PER_TILE

        pltpu.sync_copy(cols_hbm.at[vh], cols_v)
        pltpu.sync_copy(vals_hbm.at[vh], vals_v)

        inp_bufs = (inp_v0, inp_v1)
        out_bufs = (out_v0, out_v1)
        idx_bufs = (idx_v0, idx_v1)
        in_sems = (in_s0, in_s1)
        out_sems = (out_s0, out_s1)

        lane = lax.iota(jnp.int32, L)
        idx_mask = lane < GPH
        grp_base = lane + vh * GOFF_STEP

        def in_copy(b, u):
            return pltpu.make_async_copy(
                inp_hbm.at[b], inp_bufs[u], in_sems[u])

        def out_copy(u):
            return pltpu.make_async_copy(
                out_bufs[u], out_hbm.at[idx_bufs[u]], out_sems[u])

        def compute(inp_ref, out_ref):
            def body(i, carry):
                o = i * L
                c0 = cols_v[0, pl.ds(o, L)]
                c1 = cols_v[1, pl.ds(o, L)]
                c2 = cols_v[2, pl.ds(o, L)]
                w0 = vals_v[0, pl.ds(o, L)]
                w1 = vals_v[1, pl.ds(o, L)]
                w2 = vals_v[2, pl.ds(o, L)]
                orow = lane + o
                fo = orow * 3
                m = orow < VPH
                for c in range(3):
                    g0 = plsc.load_gather(inp_ref, [c0 + c])
                    g1 = plsc.load_gather(inp_ref, [c1 + c])
                    g2 = plsc.load_gather(inp_ref, [c2 + c])
                    acc = g0 * w0 + g1 * w1 + g2 * w2
                    f = fo + c
                    row = f // ROW_W
                    plsc.store_scatter(out_ref, [row, f - row * ROW_W], acc,
                                       mask=m)
                return carry
            lax.fori_loop(0, NVEC, body, 0)

        in_copy(b0, 0).start()

        def b_iter(j, carry):
            for u in range(2):
                idx = j * 2 + u
                b = b0 + idx
                in_copy(b, u).wait()
                @pl.when(idx + 1 < B_PER_TILE)
                def _():
                    in_copy(b + 1, u ^ 1).start()
                @pl.when(j > 0)
                def _():
                    out_copy(u).wait()
                plsc.store_scatter(idx_bufs[u], [lane],
                                   grp_base + b * ROWS_PER_B, mask=idx_mask)
                compute(inp_bufs[u], out_bufs[u])
                out_copy(u).start()
            return carry

        lax.fori_loop(0, B_PER_TILE // 2, b_iter, 0)

        for u in range(2):
            out_copy(u).wait()

    return k(inp_vertices, cols_p, vals_p)


def kernel(inp_vertices, csr_vals, csr_rows, csr_cols):
    del csr_rows
    cols3 = (csr_cols.astype(jnp.int32) * 3).reshape(N_OUT, 3).T
    vals_t = csr_vals.astype(jnp.float32).reshape(N_OUT, 3).T
    pad = VBUF - VPH

    def pack(a):
        h0 = a[:, :VPH]
        h1 = a[:, VOFF_STEP:]
        return jnp.stack([
            jnp.pad(h0, ((0, 0), (0, pad))),
            jnp.pad(h1, ((0, 0), (0, pad))),
        ])

    out = _spmm_sc(inp_vertices.reshape(BATCH, N_IN * 3),
                   pack(cols3), pack(vals_t))
    out = out.reshape(BATCH, ROWS_PER_B, ROW_P)[:, :, :ROW_W]
    return out.reshape(BATCH, N_OUT, 3)

# --- scband reference (transcript-rebuilt; emitter-appended) ---
"""Pipeline reference for scband-smplconverter-25383256719614 (READ-ONLY COPY).

The authoritative reference and input builder live on the scoring server;
editing this copy changes nothing except your own understanding.
"""

import jax, jax.numpy as jnp
import numpy as np

N_IN = 6890    # SMPL vertex count (input model)
N_OUT = 10475  # SMPL-X vertex count (output model)
NNZ_PER_ROW = 3  # barycentric interpolation: 3 source vertices per output vertex
BATCH = 1024


def setup_inputs(seed: int = 0) -> dict:
    key = jax.random.key(seed)
    k1, k2, k3 = jax.random.split(key, 3)
    inp_vertices = jax.random.normal(k1, (BATCH, N_IN, 3), dtype=jnp.float32)
    # Synthetic barycentric vertex-converter sparse matrix in COO form (CSR with
    # fixed nnz-per-row flattens to sorted COO rows). Rows sum to 1 like true
    # barycentric weights.
    csr_rows = jnp.repeat(jnp.arange(N_OUT, dtype=jnp.int64), NNZ_PER_ROW)
    csr_cols = jax.random.randint(k2, (N_OUT * NNZ_PER_ROW,), 0, N_IN, dtype=jnp.int64)
    w = jax.random.uniform(k3, (N_OUT, NNZ_PER_ROW), dtype=jnp.float32, minval=0.1, maxval=1.0)
    csr_vals = (w / jnp.sum(w, axis=1, keepdims=True)).reshape(-1)
    return {
        "inp_vertices": inp_vertices,
        "csr_vals": csr_vals,
        "csr_rows": csr_rows,
        "csr_cols": csr_cols,
    }


def reference(inp_vertices, csr_vals, csr_rows, csr_cols):
    # Faithful jax translation of SMPLConverter.convert_vertices:
    #   v = inp_vertices.permute(1, 0, 2).reshape(num_vertices_in, -1)
    #   r = torch.sparse.mm(vertex_converter_csr, v)
    #   return r.reshape(num_vertices_out, -1, 3).permute(1, 0, 2)
    B = inp_vertices.shape[0]
    v = jnp.transpose(inp_vertices, (1, 0, 2)).reshape(N_IN, -1)  # [N_IN, B*3]
    gathered = csr_vals[:, None] * jnp.take(v, csr_cols, axis=0)   # [nnz, B*3]
    r = jax.ops.segment_sum(gathered, csr_rows, num_segments=N_OUT)  # [N_OUT, B*3]
    out = jnp.transpose(r.reshape(N_OUT, B, 3), (1, 0, 2))          # [B, N_OUT, 3]
    return out

if __name__ == "__main__":
    import jax
    _d = setup_inputs()
    print(jax.jit(kernel)(*tuple(_d.values())))

</pallas_src>

<mosaic_0001>
#map = affine_map<(d0, d1) -> (0, 0)>
#map1 = affine_map<(d0, d1) -> (0, 0, 0)>
module attributes {stable_mosaic.version = 14 : i64} {
  func.func @k(%arg0: i32, %arg1: i32, %arg2: memref<1024x20670xf32, #tpu.memory_space<hbm>>, %arg3: memref<2x3x5456xi32, #tpu.memory_space<hbm>>, %arg4: memref<2x3x5456xf32, #tpu.memory_space<hbm>>, %arg5: memref<25600x1264xf32, #tpu.memory_space<hbm>>, %arg6: memref<3x5456xi32, #tpu.memory_space<vmem>>, %arg7: memref<3x5456xf32, #tpu.memory_space<vmem>>, %arg8: memref<20670xf32, #tpu.memory_space<vmem>>, %arg9: memref<20670xf32, #tpu.memory_space<vmem>>, %arg10: memref<13x1264xf32, #tpu.memory_space<vmem>>, %arg11: memref<13x1264xf32, #tpu.memory_space<vmem>>, %arg12: memref<13xi32, #tpu.memory_space<vmem>>, %arg13: memref<13xi32, #tpu.memory_space<vmem>>, %arg14: memref<!tpu.dma_semaphore, #tpu.memory_space<semaphore_mem>>, %arg15: memref<!tpu.dma_semaphore, #tpu.memory_space<semaphore_mem>>, %arg16: memref<!tpu.dma_semaphore, #tpu.memory_space<semaphore_mem>>, %arg17: memref<!tpu.dma_semaphore, #tpu.memory_space<semaphore_mem>>) attributes {dimension_semantics = [#tpu.dimension_semantics<core_parallel>, #tpu.dimension_semantics<subcore_parallel>], iteration_bounds = array<i64: 2, 16>, scalar_prefetch = 0 : i64, scratch_operands = 12 : i64, tpu.core_type = #tpu.core_type<sc_vector_subcore>, window_params = [{transform_indices = #map}, {transform_indices = #map1}, {transform_indices = #map1}, {transform_indices = #map}]} {
    %mul3A = arith.constant 64 : i32
    %mul3A_0 = arith.muli %arg1, %mul3A : i32
    "tpu.region"() ({
      %run_scoped3A = tpu.sem_alloc : memref<!tpu.dma_semaphore, #tpu.memory_space<semaphore_mem>>
      %dma_start3A_21 = arith.constant 0 : i32
      %dma_start3A_22 = arith.constant 0 : i32
      %dma_start3A_23 = tpu.memref_slice %arg3[%arg0, %dma_start3A_21, %dma_start3A_22] : memref<2x3x5456xi32, #tpu.memory_space<hbm>> -> memref<1x3x5456xi32, #tpu.memory_space<hbm>>
      %dma_start3A_24 = tpu.memref_squeeze %dma_start3A_23 : memref<1x3x5456xi32, #tpu.memory_space<hbm>> -> memref<3x5456xi32, #tpu.memory_space<hbm>>
      %dma_start3A_25 = arith.constant 0 : i32
      %dma_start3A_26 = arith.constant 0 : i32
      %dma_start3A_27 = tpu.memref_slice %arg3[%arg0, %dma_start3A_25, %dma_start3A_26] : memref<2x3x5456xi32, #tpu.memory_space<hbm>> -> memref<1x3x5456xi32, #tpu.memory_space<hbm>>
      %dma_start3A_28 = tpu.memref_squeeze %dma_start3A_27 : memref<1x3x5456xi32, #tpu.memory_space<hbm>> -> memref<3x5456xi32, #tpu.memory_space<hbm>>
      tpu.enqueue_dma source(%dma_start3A_28 : memref<3x5456xi32, #tpu.memory_space<hbm>>) target(%arg6 : memref<3x5456xi32, #tpu.memory_space<vmem>>) target_semaphore(%run_scoped3A : memref<!tpu.dma_semaphore, #tpu.memory_space<semaphore_mem>>)
      %dma_wait3A_29 = arith.constant 0 : i32
      %dma_wait3A_30 = arith.constant 0 : i32
      %dma_wait3A_31 = tpu.memref_slice %arg3[%arg0, %dma_wait3A_29, %dma_wait3A_30] : memref<2x3x5456xi32, #tpu.memory_space<hbm>> -> memref<1x3x5456xi32, #tpu.memory_space<hbm>>
      %dma_wait3A_32 = tpu.memref_squeeze %dma_wait3A_31 : memref<1x3x5456xi32, #tpu.memory_space<hbm>> -> memref<3x5456xi32, #tpu.memory_space<hbm>>
      %dma_wait3A_33 = arith.constant 0 : i32
      %dma_wait3A_34 = arith.constant 0 : i32
      %dma_wait3A_35 = tpu.memref_slice %arg3[%arg0, %dma_wait3A_33, %dma_wait3A_34] : memref<2x3x5456xi32, #tpu.memory_space<hbm>> -> memref<1x3x5456xi32, #tpu.memory_space<hbm>>
      %dma_wait3A_36 = tpu.memref_squeeze %dma_wait3A_35 : memref<1x3x5456xi32, #tpu.memory_space<hbm>> -> memref<3x5456xi32, #tpu.memory_space<hbm>>
      tpu.wait_dma2 semaphore(%run_scoped3A : memref<!tpu.dma_semaphore, #tpu.memory_space<semaphore_mem>>) src(%dma_wait3A_36 : memref<3x5456xi32, #tpu.memory_space<hbm>>) dst(%arg6 : memref<3x5456xi32, #tpu.memory_space<vmem>>)
      tpu.yield
    }) : () -> ()
    "tpu.region"() ({
      %run_scoped3A = tpu.sem_alloc : memref<!tpu.dma_semaphore, #tpu.memory_space<semaphore_mem>>
      %dma_start3A_21 = arith.constant 0 : i32
      %dma_start3A_22 = arith.constant 0 : i32
      %dma_start3A_23 = tpu.memref_slice %arg4[%arg0, %dma_start3A_21, %dma_start3A_22] : memref<2x3x5456xf32, #tpu.memory_space<hbm>> -> memref<1x3x5456xf32, #tpu.memory_space<hbm>>
      %dma_start3A_24 = tpu.memref_squeeze %dma_start3A_23 : memref<1x3x5456xf32, #tpu.memory_space<hbm>> -> memref<3x5456xf32, #tpu.memory_space<hbm>>
      %dma_start3A_25 = arith.constant 0 : i32
      %dma_start3A_26 = arith.constant 0 : i32
      %dma_start3A_27 = tpu.memref_slice %arg4[%arg0, %dma_start3A_25, %dma_start3A_26] : memref<2x3x5456xf32, #tpu.memory_space<hbm>> -> memref<1x3x5456xf32, #tpu.memory_space<hbm>>
      %dma_start3A_28 = tpu.memref_squeeze %dma_start3A_27 : memref<1x3x5456xf32, #tpu.memory_space<hbm>> -> memref<3x5456xf32, #tpu.memory_space<hbm>>
      tpu.enqueue_dma source(%dma_start3A_28 : memref<3x5456xf32, #tpu.memory_space<hbm>>) target(%arg7 : memref<3x5456xf32, #tpu.memory_space<vmem>>) target_semaphore(%run_scoped3A : memref<!tpu.dma_semaphore, #tpu.memory_space<semaphore_mem>>)
      %dma_wait3A_29 = arith.constant 0 : i32
      %dma_wait3A_30 = arith.constant 0 : i32
      %dma_wait3A_31 = tpu.memref_slice %arg4[%arg0, %dma_wait3A_29, %dma_wait3A_30] : memref<2x3x5456xf32, #tpu.memory_space<hbm>> -> memref<1x3x5456xf32, #tpu.memory_space<hbm>>
      %dma_wait3A_32 = tpu.memref_squeeze %dma_wait3A_31 : memref<1x3x5456xf32, #tpu.memory_space<hbm>> -> memref<3x5456xf32, #tpu.memory_space<hbm>>
      %dma_wait3A_33 = arith.constant 0 : i32
      %dma_wait3A_34 = arith.constant 0 : i32
      %dma_wait3A_35 = tpu.memref_slice %arg4[%arg0, %dma_wait3A_33, %dma_wait3A_34] : memref<2x3x5456xf32, #tpu.memory_space<hbm>> -> memref<1x3x5456xf32, #tpu.memory_space<hbm>>
      %dma_wait3A_36 = tpu.memref_squeeze %dma_wait3A_35 : memref<1x3x5456xf32, #tpu.memory_space<hbm>> -> memref<3x5456xf32, #tpu.memory_space<hbm>>
      tpu.wait_dma2 semaphore(%run_scoped3A : memref<!tpu.dma_semaphore, #tpu.memory_space<semaphore_mem>>) src(%dma_wait3A_36 : memref<3x5456xf32, #tpu.memory_space<hbm>>) dst(%arg7 : memref<3x5456xf32, #tpu.memory_space<vmem>>)
      tpu.yield
    }) : () -> ()
    %iota3A = tpu.iota {dimensions = array<i32: 0>} : vector<16xi32>
    %lt3A = arith.constant 13 : i32
    %lt3A_1 = vector.broadcast %lt3A : i32 to vector<16xi32>
    %lt3A_2 = arith.cmpi slt, %iota3A, %lt3A_1 : vector<16xi32>
    %mul3A_3 = arith.constant 12 : i32
    %mul3A_4 = arith.muli %arg0, %mul3A_3 : i32
    %add3A = vector.broadcast %mul3A_4 : i32 to vector<16xi32>
    %add3A_5 = arith.addi %iota3A, %add3A : vector<16xi32>
    %dma_start3A = arith.constant 0 : i32
    %dma_start3A_6 = tpu.memref_slice %arg2[%mul3A_0, %dma_start3A] : memref<1024x20670xf32, #tpu.memory_space<hbm>> -> memref<1x20670xf32, #tpu.memory_space<hbm>>
    %dma_start3A_7 = tpu.memref_squeeze %dma_start3A_6 : memref<1x20670xf32, #tpu.memory_space<hbm>> -> memref<20670xf32, #tpu.memory_space<hbm>>
    %dma_start3A_8 = arith.constant 0 : i32
    %dma_start3A_9 = tpu.memref_slice %arg2[%mul3A_0, %dma_start3A_8] : memref<1024x20670xf32, #tpu.memory_space<hbm>> -> memref<1x20670xf32, #tpu.memory_space<hbm>>
    %dma_start3A_10 = tpu.memref_squeeze %dma_start3A_9 : memref<1x20670xf32, #tpu.memory_space<hbm>> -> memref<20670xf32, #tpu.memory_space<hbm>>
    tpu.enqueue_dma source(%dma_start3A_10 : memref<20670xf32, #tpu.memory_space<hbm>>) target(%arg8 : memref<20670xf32, #tpu.memory_space<vmem>>) target_semaphore(%arg14 : memref<!tpu.dma_semaphore, #tpu.memory_space<semaphore_mem>>)
    %scan3A = arith.constant 0 : i32
    %scan3A_11 = arith.constant 0 : i32
    %scan3A_12 = arith.constant 32 : i32
    %scan3A_13 = arith.addi %scan3A_11, %scan3A_12 : i32
    %scan3A_14 = arith.constant 1 : i32
    scf.for %scan3A_21 = %scan3A_11 to %scan3A_13 step %scan3A_14  : i32 {
      %mul3A_22 = arith.constant 2 : i32
      %mul3A_23 = arith.muli %scan3A_21, %mul3A_22 : i32
      %add3A_24 = arith.constant 0 : i32
      %add3A_25 = arith.addi %mul3A_23, %add3A_24 : i32
      %add3A_26 = arith.addi %mul3A_0, %add3A_25 : i32
      %dma_wait3A_27 = arith.constant 0 : i32
      %dma_wait3A_28 = tpu.memref_slice %arg2[%add3A_26, %dma_wait3A_27] : memref<1024x20670xf32, #tpu.memory_space<hbm>> -> memref<1x20670xf32, #tpu.memory_space<hbm>>
      %dma_wait3A_29 = tpu.memref_squeeze %dma_wait3A_28 : memref<1x20670xf32, #tpu.memory_space<hbm>> -> memref<20670xf32, #tpu.memory_space<hbm>>
      %dma_wait3A_30 = arith.constant 0 : i32
      %dma_wait3A_31 = tpu.memref_slice %arg2[%add3A_26, %dma_wait3A_30] : memref<1024x20670xf32, #tpu.memory_space<hbm>> -> memref<1x20670xf32, #tpu.memory_space<hbm>>
      %dma_wait3A_32 = tpu.memref_squeeze %dma_wait3A_31 : memref<1x20670xf32, #tpu.memory_space<hbm>> -> memref<20670xf32, #tpu.memory_space<hbm>>
      tpu.wait_dma2 semaphore(%arg14 : memref<!tpu.dma_semaphore, #tpu.memory_space<semaphore_mem>>) src(%dma_wait3A_32 : memref<20670xf32, #tpu.memory_space<hbm>>) dst(%arg8 : memref<20670xf32, #tpu.memory_space<vmem>>)
      %add3A_33 = arith.constant 1 : i32
      %add3A_34 = arith.addi %add3A_25, %add3A_33 : i32
      %lt3A_35 = arith.constant 64 : i32
      %lt3A_36 = arith.cmpi slt, %add3A_34, %lt3A_35 : i32
      %convert_element_type3A = arith.extui %lt3A_36 : i1 to i32
      %cond3A = arith.constant 0 : i32
      %cond3A_37 = arith.cmpi ne, %convert_element_type3A, %cond3A : i32
      scf.if %cond3A_37 {
        %add3A_91 = arith.constant 1 : i32
        %add3A_92 = arith.addi %add3A_26, %add3A_91 : i32
        %dma_start3A_93 = arith.constant 0 : i32
        %dma_start3A_94 = tpu.memref_slice %arg2[%add3A_92, %dma_start3A_93] : memref<1024x20670xf32, #tpu.memory_space<hbm>> -> memref<1x20670xf32, #tpu.memory_space<hbm>>
        %dma_start3A_95 = tpu.memref_squeeze %dma_start3A_94 : memref<1x20670xf32, #tpu.memory_space<hbm>> -> memref<20670xf32, #tpu.memory_space<hbm>>
        %dma_start3A_96 = arith.constant 0 : i32
        %dma_start3A_97 = tpu.memref_slice %arg2[%add3A_92, %dma_start3A_96] : memref<1024x20670xf32, #tpu.memory_space<hbm>> -> memref<1x20670xf32, #tpu.memory_space<hbm>>
        %dma_start3A_98 = tpu.memref_squeeze %dma_start3A_97 : memref<1x20670xf32, #tpu.memory_space<hbm>> -> memref<20670xf32, #tpu.memory_space<hbm>>
        tpu.enqueue_dma source(%dma_start3A_98 : memref<20670xf32, #tpu.memory_space<hbm>>) target(%arg9 : memref<20670xf32, #tpu.memory_space<vmem>>) target_semaphore(%arg15 : memref<!tpu.dma_semaphore, #tpu.memory_space<semaphore_mem>>)
      } else {
      }
      %gt3A = arith.constant 0 : i32
      %gt3A_38 = arith.cmpi sgt, %scan3A_21, %gt3A : i32
      %convert_element_type3A_39 = arith.extui %gt3A_38 : i1 to i32
      %cond3A_40 = arith.constant 0 : i32
      %cond3A_41 = arith.cmpi ne, %convert_element_type3A_39, %cond3A_40 : i32
      scf.if %cond3A_41 {
        %dma_wait3A_91 = arith.constant 0 : i32
        %dma_wait3A_92 = arith.constant 0 : i32
        %dma_wait3A_93 = tpu.memref_slice %arg5[%dma_wait3A_91, %dma_wait3A_92] : memref<25600x1264xf32, #tpu.memory_space<hbm>> -> memref<25600x1264xf32, #tpu.memory_space<hbm>>
        tpu.wait_indirect_dma semaphore(%arg16 : memref<!tpu.dma_semaphore, #tpu.memory_space<semaphore_mem>>) src(%arg10 : memref<13x1264xf32, #tpu.memory_space<vmem>>) dst(%dma_wait3A_93 : memref<25600x1264xf32, #tpu.memory_space<hbm>>)
      } else {
      }
      %mul3A_42 = arith.constant 25 : i32
      %mul3A_43 = arith.muli %add3A_26, %mul3A_42 : i32
      %add3A_44 = vector.broadcast %mul3A_43 : i32 to vector<16xi32>
      %add3A_45 = arith.addi %add3A_5, %add3A_44 : vector<16xi32>
      tpu.vector_store_idx %arg12[%iota3A], %add3A_45 masked %lt3A_2 : memref<13xi32, #tpu.memory_space<vmem>>[vector<16xi32>], vector<16xi32>, vector<16xi1>
      %scan3A_46 = arith.constant 0 : i32
      %scan3A_47 = arith.constant 0 : i32
      %scan3A_48 = arith.constant 341 : i32
      %scan3A_49 = arith.addi %scan3A_47, %scan3A_48 : i32
      %scan3A_50 = arith.constant 1 : i32
      scf.for %scan3A_91 = %scan3A_47 to %scan3A_49 step %scan3A_50  : i32 {
        %mul3A_92 = arith.constant 16 : i32
        %mul3A_93 = arith.muli %scan3A_91, %mul3A_92 : i32
        %get3A = arith.constant 0 : i32
        %get3A_94 = arith.index_cast %get3A : i32 to index
        %get3A_95 = arith.index_cast %mul3A_93 : i32 to index
        %get3A_96 = tpu.vector_load %arg6[%get3A_94, %get3A_95] {strides = array<i32>} : memref<3x5456xi32, #tpu.memory_space<vmem>>, vector<16xi32>,
        %get3A_97 = arith.constant 1 : i32
        %get3A_98 = arith.index_cast %get3A_97 : i32 to index
        %get3A_99 = arith.index_cast %mul3A_93 : i32 to index
        %get3A_100 = tpu.vector_load %arg6[%get3A_98, %get3A_99] {strides = array<i32>} : memref<3x5456xi32, #tpu.memory_space<vmem>>, vector<16xi32>,
        %get3A_101 = arith.constant 2 : i32
        %get3A_102 = arith.index_cast %get3A_101 : i32 to index
        %get3A_103 = arith.index_cast %mul3A_93 : i32 to index
        %get3A_104 = tpu.vector_load %arg6[%get3A_102, %get3A_103] {strides = array<i32>} : memref<3x5456xi32, #tpu.memory_space<vmem>>, vector<16xi32>,
        %get3A_105 = arith.constant 0 : i32
        %get3A_106 = arith.index_cast %get3A_105 : i32 to index
        %get3A_107 = arith.index_cast %mul3A_93 : i32 to index
        %get3A_108 = tpu.vector_load %arg7[%get3A_106, %get3A_107] {strides = array<i32>} : memref<3x5456xf32, #tpu.memory_space<vmem>>, vector<16xf32>,
        %get3A_109 = arith.constant 1 : i32
        %get3A_110 = arith.index_cast %get3A_109 : i32 to index
        %get3A_111 = arith.index_cast %mul3A_93 : i32 to index
        %get3A_112 = tpu.vector_load %arg7[%get3A_110, %get3A_111] {strides = array<i32>} : memref<3x5456xf32, #tpu.memory_space<vmem>>, vector<16xf32>,
        %get3A_113 = arith.constant 2 : i32
        %get3A_114 = arith.index_cast %get3A_113 : i32 to index
        %get3A_115 = arith.index_cast %mul3A_93 : i32 to index
        %get3A_116 = tpu.vector_load %arg7[%get3A_114, %get3A_115] {strides = array<i32>} : memref<3x5456xf32, #tpu.memory_space<vmem>>, vector<16xf32>,
        %add3A_117 = vector.broadcast %mul3A_93 : i32 to vector<16xi32>
        %add3A_118 = arith.addi %iota3A, %add3A_117 : vector<16xi32>
        %mul3A_119 = arith.constant 3 : i32
        %mul3A_120 = vector.broadcast %mul3A_119 : i32 to vector<16xi32>
        %mul3A_121 = arith.muli %add3A_118, %mul3A_120 : vector<16xi32>
        %lt3A_122 = arith.constant 5447 : i32
        %lt3A_123 = vector.broadcast %lt3A_122 : i32 to vector<16xi32>
        %lt3A_124 = arith.cmpi slt, %add3A_118, %lt3A_123 : vector<16xi32>
        %add3A_125 = arith.constant 0 : i32
        %add3A_126 = vector.broadcast %add3A_125 : i32 to vector<16xi32>
        %add3A_127 = arith.addi %get3A_96, %add3A_126 : vector<16xi32>
        %gather3A = tpu.vector_load_idx %arg8[%add3A_127] : memref<20670xf32, #tpu.memory_space<vmem>>[vector<16xi32>], vector<16xf32>,
        %add3A_128 = arith.constant 0 : i32
        %add3A_129 = vector.broadcast %add3A_128 : i32 to vector<16xi32>
        %add3A_130 = arith.addi %get3A_100, %add3A_129 : vector<16xi32>
        %gather3A_131 = tpu.vector_load_idx %arg8[%add3A_130] : memref<20670xf32, #tpu.memory_space<vmem>>[vector<16xi32>], vector<16xf32>,
        %add3A_132 = arith.constant 0 : i32
        %add3A_133 = vector.broadcast %add3A_132 : i32 to vector<16xi32>
        %add3A_134 = arith.addi %get3A_104, %add3A_133 : vector<16xi32>
        %gather3A_135 = tpu.vector_load_idx %arg8[%add3A_134] : memref<20670xf32, #tpu.memory_space<vmem>>[vector<16xi32>], vector<16xf32>,
        %mul3A_136 = arith.mulf %gather3A, %get3A_108 : vector<16xf32>
        %mul3A_137 = arith.mulf %gather3A_131, %get3A_112 : vector<16xf32>
        %add3A_138 = arith.addf %mul3A_136, %mul3A_137 : vector<16xf32>
        %mul3A_139 = arith.mulf %gather3A_135, %get3A_116 : vector<16xf32>
        %add3A_140 = arith.addf %add3A_138, %mul3A_139 : vector<16xf32>
        %add3A_141 = arith.constant 0 : i32
        %add3A_142 = vector.broadcast %add3A_141 : i32 to vector<16xi32>
        %add3A_143 = arith.addi %mul3A_121, %add3A_142 : vector<16xi32>
        %jit3A = arith.constant 1257 : i32
        %div3A = vector.broadcast %jit3A : i32 to vector<16xi32>
        %div3A_144 = arith.divsi %add3A_143, %div3A : vector<16xi32>
        %sign3A = arith.constant 0 : i32
        %sign3A_145 = vector.broadcast %sign3A : i32 to vector<16xi32>
        %sign3A_146 = arith.cmpi sgt, %add3A_143, %sign3A_145 : vector<16xi32>
        %sign3A_147 = arith.extui %sign3A_146 : vector<16xi1> to vector<16xi32>
        %sign3A_148 = arith.constant 0 : i32
        %sign3A_149 = vector.broadcast %sign3A_148 : i32 to vector<16xi32>
        %sign3A_150 = arith.cmpi slt, %add3A_143, %sign3A_149 : vector<16xi32>
        %sign3A_151 = arith.extui %sign3A_150 : vector<16xi1> to vector<16xi32>
        %sign3A_152 = arith.subi %sign3A_147, %sign3A_151 : vector<16xi32>
        %sign3A_153 = arith.constant 0 : i32
        %sign3A_154 = arith.cmpi sgt, %jit3A, %sign3A_153 : i32
        %sign3A_155 = arith.extui %sign3A_154 : i1 to i32
        %sign3A_156 = arith.constant 0 : i32
        %sign3A_157 = arith.cmpi slt, %jit3A, %sign3A_156 : i32
        %sign3A_158 = arith.extui %sign3A_157 : i1 to i32
        %sign3A_159 = arith.subi %sign3A_155, %sign3A_158 : i32
        %ne3A = vector.broadcast %sign3A_159 : i32 to vector<16xi32>
        %ne3A_160 = arith.cmpi ne, %sign3A_152, %ne3A : vector<16xi32>
        %rem3A = vector.broadcast %jit3A : i32 to vector<16xi32>
        %rem3A_161 = arith.remsi %add3A_143, %rem3A : vector<16xi32>
        %ne3A_162 = arith.constant 0 : i32
        %ne3A_163 = vector.broadcast %ne3A_162 : i32 to vector<16xi32>
        %ne3A_164 = arith.cmpi ne, %rem3A_161, %ne3A_163 : vector<16xi32>
        %and3A = arith.andi %ne3A_160, %ne3A_164 : vector<16xi1>
        %sub3A = arith.constant 1 : i32
        %sub3A_165 = vector.broadcast %sub3A : i32 to vector<16xi32>
        %sub3A_166 = arith.subi %div3A_144, %sub3A_165 : vector<16xi32>
        %select_n3A = arith.select %and3A, %sub3A_166, %div3A_144 : vector<16xi1>, vector<16xi32>
        %mul3A_167 = arith.constant 1257 : i32
        %mul3A_168 = vector.broadcast %mul3A_167 : i32 to vector<16xi32>
        %mul3A_169 = arith.muli %select_n3A, %mul3A_168 : vector<16xi32>
        %sub3A_170 = arith.subi %add3A_143, %mul3A_169 : vector<16xi32>
        tpu.vector_store_idx %arg10[%select_n3A, %sub3A_170], %add3A_140 masked %lt3A_124 : memref<13x1264xf32, #tpu.memory_space<vmem>>[vector<16xi32>, vector<16xi32>], vector<16xf32>, vector<16xi1>
        %add3A_171 = arith.constant 1 : i32
        %add3A_172 = vector.broadcast %add3A_171 : i32 to vector<16xi32>
        %add3A_173 = arith.addi %get3A_96, %add3A_172 : vector<16xi32>
        %gather3A_174 = tpu.vector_load_idx %arg8[%add3A_173] : memref<20670xf32, #tpu.memory_space<vmem>>[vector<16xi32>], vector<16xf32>,
        %add3A_175 = arith.constant 1 : i32
        %add3A_176 = vector.broadcast %add3A_175 : i32 to vector<16xi32>
        %add3A_177 = arith.addi %get3A_100, %add3A_176 : vector<16xi32>
        %gather3A_178 = tpu.vector_load_idx %arg8[%add3A_177] : memref<20670xf32, #tpu.memory_space<vmem>>[vector<16xi32>], vector<16xf32>,
        %add3A_179 = arith.constant 1 : i32
        %add3A_180 = vector.broadcast %add3A_179 : i32 to vector<16xi32>
        %add3A_181 = arith.addi %get3A_104, %add3A_180 : vector<16xi32>
        %gather3A_182 = tpu.vector_load_idx %arg8[%add3A_181] : memref<20670xf32, #tpu.memory_space<vmem>>[vector<16xi32>], vector<16xf32>,
        %mul3A_183 = arith.mulf %gather3A_174, %get3A_108 : vector<16xf32>
        %mul3A_184 = arith.mulf %gather3A_178, %get3A_112 : vector<16xf32>
        %add3A_185 = arith.addf %mul3A_183, %mul3A_184 : vector<16xf32>
        %mul3A_186 = arith.mulf %gather3A_182, %get3A_116 : vector<16xf32>
        %add3A_187 = arith.addf %add3A_185, %mul3A_186 : vector<16xf32>
        %add3A_188 = arith.constant 1 : i32
        %add3A_189 = vector.broadcast %add3A_188 : i32 to vector<16xi32>
        %add3A_190 = arith.addi %mul3A_121, %add3A_189 : vector<16xi32>
        %jit3A_191 = arith.constant 1257 : i32
        %div3A_192 = vector.broadcast %jit3A_191 : i32 to vector<16xi32>
        %div3A_193 = arith.divsi %add3A_190, %div3A_192 : vector<16xi32>
        %sign3A_194 = arith.constant 0 : i32
        %sign3A_195 = vector.broadcast %sign3A_194 : i32 to vector<16xi32>
        %sign3A_196 = arith.cmpi sgt, %add3A_190, %sign3A_195 : vector<16xi32>
        %sign3A_197 = arith.extui %sign3A_196 : vector<16xi1> to vector<16xi32>
        %sign3A_198 = arith.constant 0 : i32
        %sign3A_199 = vector.broadcast %sign3A_198 : i32 to vector<16xi32>
        %sign3A_200 = arith.cmpi slt, %add3A_190, %sign3A_199 : vector<16xi32>
        %sign3A_201 = arith.extui %sign3A_200 : vector<16xi1> to vector<16xi32>
        %sign3A_202 = arith.subi %sign3A_197, %sign3A_201 : vector<16xi32>
        %sign3A_203 = arith.constant 0 : i32
        %sign3A_204 = arith.cmpi sgt, %jit3A_191, %sign3A_203 : i32
        %sign3A_205 = arith.extui %sign3A_204 : i1 to i32
        %sign3A_206 = arith.constant 0 : i32
        %sign3A_207 = arith.cmpi slt, %jit3A_191, %sign3A_206 : i32
        %sign3A_208 = arith.extui %sign3A_207 : i1 to i32
        %sign3A_209 = arith.subi %sign3A_205, %sign3A_208 : i32
        %ne3A_210 = vector.broadcast %sign3A_209 : i32 to vector<16xi32>
        %ne3A_211 = arith.cmpi ne, %sign3A_202, %ne3A_210 : vector<16xi32>
        %rem3A_212 = vector.broadcast %jit3A_191 : i32 to vector<16xi32>
        %rem3A_213 = arith.remsi %add3A_190, %rem3A_212 : vector<16xi32>
        %ne3A_214 = arith.constant 0 : i32
        %ne3A_215 = vector.broadcast %ne3A_214 : i32 to vector<16xi32>
        %ne3A_216 = arith.cmpi ne, %rem3A_213, %ne3A_215 : vector<16xi32>
        %and3A_217 = arith.andi %ne3A_211, %ne3A_216 : vector<16xi1>
        %sub3A_218 = arith.constant 1 : i32
        %sub3A_219 = vector.broadcast %sub3A_218 : i32 to vector<16xi32>
        %sub3A_220 = arith.subi %div3A_193, %sub3A_219 : vector<16xi32>
        %select_n3A_221 = arith.select %and3A_217, %sub3A_220, %div3A_193 : vector<16xi1>, vector<16xi32>
        %mul3A_222 = arith.constant 1257 : i32
        %mul3A_223 = vector.broadcast %mul3A_222 : i32 to vector<16xi32>
        %mul3A_224 = arith.muli %select_n3A_221, %mul3A_223 : vector<16xi32>
        %sub3A_225 = arith.subi %add3A_190, %mul3A_224 : vector<16xi32>
        tpu.vector_store_idx %arg10[%select_n3A_221, %sub3A_225], %add3A_187 masked %lt3A_124 : memref<13x1264xf32, #tpu.memory_space<vmem>>[vector<16xi32>, vector<16xi32>], vector<16xf32>, vector<16xi1>
        %add3A_226 = arith.constant 2 : i32
        %add3A_227 = vector.broadcast %add3A_226 : i32 to vector<16xi32>
        %add3A_228 = arith.addi %get3A_96, %add3A_227 : vector<16xi32>
        %gather3A_229 = tpu.vector_load_idx %arg8[%add3A_228] : memref<20670xf32, #tpu.memory_space<vmem>>[vector<16xi32>], vector<16xf32>,
        %add3A_230 = arith.constant 2 : i32
        %add3A_231 = vector.broadcast %add3A_230 : i32 to vector<16xi32>
        %add3A_232 = arith.addi %get3A_100, %add3A_231 : vector<16xi32>
        %gather3A_233 = tpu.vector_load_idx %arg8[%add3A_232] : memref<20670xf32, #tpu.memory_space<vmem>>[vector<16xi32>], vector<16xf32>,
        %add3A_234 = arith.constant 2 : i32
        %add3A_235 = vector.broadcast %add3A_234 : i32 to vector<16xi32>
        %add3A_236 = arith.addi %get3A_104, %add3A_235 : vector<16xi32>
        %gather3A_237 = tpu.vector_load_idx %arg8[%add3A_236] : memref<20670xf32, #tpu.memory_space<vmem>>[vector<16xi32>], vector<16xf32>,
        %mul3A_238 = arith.mulf %gather3A_229, %get3A_108 : vector<16xf32>
        %mul3A_239 = arith.mulf %gather3A_233, %get3A_112 : vector<16xf32>
        %add3A_240 = arith.addf %mul3A_238, %mul3A_239 : vector<16xf32>
        %mul3A_241 = arith.mulf %gather3A_237, %get3A_116 : vector<16xf32>
        %add3A_242 = arith.addf %add3A_240, %mul3A_241 : vector<16xf32>
        %add3A_243 = arith.constant 2 : i32
        %add3A_244 = vector.broadcast %add3A_243 : i32 to vector<16xi32>
        %add3A_245 = arith.addi %mul3A_121, %add3A_244 : vector<16xi32>
        %jit3A_246 = arith.constant 1257 : i32
        %div3A_247 = vector.broadcast %jit3A_246 : i32 to vector<16xi32>
        %div3A_248 = arith.divsi %add3A_245, %div3A_247 : vector<16xi32>
        %sign3A_249 = arith.constant 0 : i32
        %sign3A_250 = vector.broadcast %sign3A_249 : i32 to vector<16xi32>
        %sign3A_251 = arith.cmpi sgt, %add3A_245, %sign3A_250 : vector<16xi32>
        %sign3A_252 = arith.extui %sign3A_251 : vector<16xi1> to vector<16xi32>
        %sign3A_253 = arith.constant 0 : i32
        %sign3A_254 = vector.broadcast %sign3A_253 : i32 to vector<16xi32>
        %sign3A_255 = arith.cmpi slt, %add3A_245, %sign3A_254 : vector<16xi32>
        %sign3A_256 = arith.extui %sign3A_255 : vector<16xi1> to vector<16xi32>
        %sign3A_257 = arith.subi %sign3A_252, %sign3A_256 : vector<16xi32>
        %sign3A_258 = arith.constant 0 : i32
        %sign3A_259 = arith.cmpi sgt, %jit3A_246, %sign3A_258 : i32
        %sign3A_260 = arith.extui %sign3A_259 : i1 to i32
        %sign3A_261 = arith.constant 0 : i32
        %sign3A_262 = arith.cmpi slt, %jit3A_246, %sign3A_261 : i32
        %sign3A_263 = arith.extui %sign3A_262 : i1 to i32
        %sign3A_264 = arith.subi %sign3A_260, %sign3A_263 : i32
        %ne3A_265 = vector.broadcast %sign3A_264 : i32 to vector<16xi32>
        %ne3A_266 = arith.cmpi ne, %sign3A_257, %ne3A_265 : vector<16xi32>
        %rem3A_267 = vector.broadcast %jit3A_246 : i32 to vector<16xi32>
        %rem3A_268 = arith.remsi %add3A_245, %rem3A_267 : vector<16xi32>
        %ne3A_269 = arith.constant 0 : i32
        %ne3A_270 = vector.broadcast %ne3A_269 : i32 to vector<16xi32>
        %ne3A_271 = arith.cmpi ne, %rem3A_268, %ne3A_270 : vector<16xi32>
        %and3A_272 = arith.andi %ne3A_266, %ne3A_271 : vector<16xi1>
        %sub3A_273 = arith.constant 1 : i32
        %sub3A_274 = vector.broadcast %sub3A_273 : i32 to vector<16xi32>
        %sub3A_275 = arith.subi %div3A_248, %sub3A_274 : vector<16xi32>
        %select_n3A_276 = arith.select %and3A_272, %sub3A_275, %div3A_248 : vector<16xi1>, vector<16xi32>
        %mul3A_277 = arith.constant 1257 : i32
        %mul3A_278 = vector.broadcast %mul3A_277 : i32 to vector<16xi32>
        %mul3A_279 = arith.muli %select_n3A_276, %mul3A_278 : vector<16xi32>
        %sub3A_280 = arith.subi %add3A_245, %mul3A_279 : vector<16xi32>
        tpu.vector_store_idx %arg10[%select_n3A_276, %sub3A_280], %add3A_242 masked %lt3A_124 : memref<13x1264xf32, #tpu.memory_space<vmem>>[vector<16xi32>, vector<16xi32>], vector<16xf32>, vector<16xi1>
      }
      %scan3A_51 = arith.constant 341 : i32
      %dma_start3A_52 = arith.constant 0 : i32
      %dma_start3A_53 = arith.constant 0 : i32
      %dma_start3A_54 = tpu.memref_slice %arg5[%dma_start3A_52, %dma_start3A_53] : memref<25600x1264xf32, #tpu.memory_space<hbm>> -> memref<25600x1264xf32, #tpu.memory_space<hbm>>
      tpu.enqueue_indirect_dma source(%arg10 : memref<13x1264xf32, #tpu.memory_space<vmem>>) target(%dma_start3A_54 : memref<25600x1264xf32, #tpu.memory_space<hbm>>) offsets(%arg12 : memref<13xi32, #tpu.memory_space<vmem>>) semaphore(%arg16 : memref<!tpu.dma_semaphore, #tpu.memory_space<semaphore_mem>>)
      %mul3A_55 = arith.constant 2 : i32
      %mul3A_56 = arith.muli %scan3A_21, %mul3A_55 : i32
      %add3A_57 = arith.constant 1 : i32
      %add3A_58 = arith.addi %mul3A_56, %add3A_57 : i32
      %add3A_59 = arith.addi %mul3A_0, %add3A_58 : i32
      %dma_wait3A_60 = arith.constant 0 : i32
      %dma_wait3A_61 = tpu.memref_slice %arg2[%add3A_59, %dma_wait3A_60] : memref<1024x20670xf32, #tpu.memory_space<hbm>> -> memref<1x20670xf32, #tpu.memory_space<hbm>>
      %dma_wait3A_62 = tpu.memref_squeeze %dma_wait3A_61 : memref<1x20670xf32, #tpu.memory_space<hbm>> -> memref<20670xf32, #tpu.memory_space<hbm>>
      %dma_wait3A_63 = arith.constant 0 : i32
      %dma_wait3A_64 = tpu.memref_slice %arg2[%add3A_59, %dma_wait3A_63] : memref<1024x20670xf32, #tpu.memory_space<hbm>> -> memref<1x20670xf32, #tpu.memory_space<hbm>>
      %dma_wait3A_65 = tpu.memref_squeeze %dma_wait3A_64 : memref<1x20670xf32, #tpu.memory_space<hbm>> -> memref<20670xf32, #tpu.memory_space<hbm>>
      tpu.wait_dma2 semaphore(%arg15 : memref<!tpu.dma_semaphore, #tpu.memory_space<semaphore_mem>>) src(%dma_wait3A_65 : memref<20670xf32, #tpu.memory_space<hbm>>) dst(%arg9 : memref<20670xf32, #tpu.memory_space<vmem>>)
      %add3A_66 = arith.constant 1 : i32
      %add3A_67 = arith.addi %add3A_58, %add3A_66 : i32
      %lt3A_68 = arith.constant 64 : i32
      %lt3A_69 = arith.cmpi slt, %add3A_67, %lt3A_68 : i32
      %convert_element_type3A_70 = arith.extui %lt3A_69 : i1 to i32
      %cond3A_71 = arith.constant 0 : i32
      %cond3A_72 = arith.cmpi ne, %convert_element_type3A_70, %cond3A_71 : i32
      scf.if %cond3A_72 {
        %add3A_91 = arith.constant 1 : i32
        %add3A_92 = arith.addi %add3A_59, %add3A_91 : i32
        %dma_start3A_93 = arith.constant 0 : i32
        %dma_start3A_94 = tpu.memref_slice %arg2[%add3A_92, %dma_start3A_93] : memref<1024x20670xf32, #tpu.memory_space<hbm>> -> memref<1x20670xf32, #tpu.memory_space<hbm>>
        %dma_start3A_95 = tpu.memref_squeeze %dma_start3A_94 : memref<1x20670xf32, #tpu.memory_space<hbm>> -> memref<20670xf32, #tpu.memory_space<hbm>>
        %dma_start3A_96 = arith.constant 0 : i32
        %dma_start3A_97 = tpu.memref_slice %arg2[%add3A_92, %dma_start3A_96] : memref<1024x20670xf32, #tpu.memory_space<hbm>> -> memref<1x20670xf32, #tpu.memory_space<hbm>>
        %dma_start3A_98 = tpu.memref_squeeze %dma_start3A_97 : memref<1x20670xf32, #tpu.memory_space<hbm>> -> memref<20670xf32, #tpu.memory_space<hbm>>
        tpu.enqueue_dma source(%dma_start3A_98 : memref<20670xf32, #tpu.memory_space<hbm>>) target(%arg8 : memref<20670xf32, #tpu.memory_space<vmem>>) target_semaphore(%arg14 : memref<!tpu.dma_semaphore, #tpu.memory_space<semaphore_mem>>)
      } else {
      }
      %gt3A_73 = arith.constant 0 : i32
      %gt3A_74 = arith.cmpi sgt, %scan3A_21, %gt3A_73 : i32
      %convert_element_type3A_75 = arith.extui %gt3A_74 : i1 to i32
      %cond3A_76 = arith.constant 0 : i32
      %cond3A_77 = arith.cmpi ne, %convert_element_type3A_75, %cond3A_76 : i32
      scf.if %cond3A_77 {
        %dma_wait3A_91 = arith.constant 0 : i32
        %dma_wait3A_92 = arith.constant 0 : i32
        %dma_wait3A_93 = tpu.memref_slice %arg5[%dma_wait3A_91, %dma_wait3A_92] : memref<25600x1264xf32, #tpu.memory_space<hbm>> -> memref<25600x1264xf32, #tpu.memory_space<hbm>>
        tpu.wait_indirect_dma semaphore(%arg17 : memref<!tpu.dma_semaphore, #tpu.memory_space<semaphore_mem>>) src(%arg11 : memref<13x1264xf32, #tpu.memory_space<vmem>>) dst(%dma_wait3A_93 : memref<25600x1264xf32, #tpu.memory_space<hbm>>)
      } else {
      }
      %mul3A_78 = arith.constant 25 : i32
      %mul3A_79 = arith.muli %add3A_59, %mul3A_78 : i32
      %add3A_80 = vector.broadcast %mul3A_79 : i32 to vector<16xi32>
      %add3A_81 = arith.addi %add3A_5, %add3A_80 : vector<16xi32>
      tpu.vector_store_idx %arg13[%iota3A], %add3A_81 masked %lt3A_2 : memref<13xi32, #tpu.memory_space<vmem>>[vector<16xi32>], vector<16xi32>, vector<16xi1>
      %scan3A_82 = arith.constant 0 : i32
      %scan3A_83 = arith.constant 0 : i32
      %scan3A_84 = arith.constant 341 : i32
      %scan3A_85 = arith.addi %scan3A_83, %scan3A_84 : i32
      %scan3A_86 = arith.constant 1 : i32
      scf.for %scan3A_91 = %scan3A_83 to %scan3A_85 step %scan3A_86  : i32 {
        %mul3A_92 = arith.constant 16 : i32
        %mul3A_93 = arith.muli %scan3A_91, %mul3A_92 : i32
        %get3A = arith.constant 0 : i32
        %get3A_94 = arith.index_cast %get3A : i32 to index
        %get3A_95 = arith.index_cast %mul3A_93 : i32 to index
        %get3A_96 = tpu.vector_load %arg6[%get3A_94, %get3A_95] {strides = array<i32>} : memref<3x5456xi32, #tpu.memory_space<vmem>>, vector<16xi32>,
        %get3A_97 = arith.constant 1 : i32
        %get3A_98 = arith.index_cast %get3A_97 : i32 to index
        %get3A_99 = arith.index_cast %mul3A_93 : i32 to index
        %get3A_100 = tpu.vector_load %arg6[%get3A_98, %get3A_99] {strides = array<i32>} : memref<3x5456xi32, #tpu.memory_space<vmem>>, vector<16xi32>,
        %get3A_101 = arith.constant 2 : i32
        %get3A_102 = arith.index_cast %get3A_101 : i32 to index
        %get3A_103 = arith.index_cast %mul3A_93 : i32 to index
        %get3A_104 = tpu.vector_load %arg6[%get3A_102, %get3A_103] {strides = array<i32>} : memref<3x5456xi32, #tpu.memory_space<vmem>>, vector<16xi32>,
        %get3A_105 = arith.constant 0 : i32
        %get3A_106 = arith.index_cast %get3A_105 : i32 to index
        %get3A_107 = arith.index_cast %mul3A_93 : i32 to index
        %get3A_108 = tpu.vector_load %arg7[%get3A_106, %get3A_107] {strides = array<i32>} : memref<3x5456xf32, #tpu.memory_space<vmem>>, vector<16xf32>,
        %get3A_109 = arith.constant 1 : i32
        %get3A_110 = arith.index_cast %get3A_109 : i32 to index
        %get3A_111 = arith.index_cast %mul3A_93 : i32 to index
        %get3A_112 = tpu.vector_load %arg7[%get3A_110, %get3A_111] {strides = array<i32>} : memref<3x5456xf32, #tpu.memory_space<vmem>>, vector<16xf32>,
        %get3A_113 = arith.constant 2 : i32
        %get3A_114 = arith.index_cast %get3A_113 : i32 to index
        %get3A_115 = arith.index_cast %mul3A_93 : i32 to index
        %get3A_116 = tpu.vector_load %arg7[%get3A_114, %get3A_115] {strides = array<i32>} : memref<3x5456xf32, #tpu.memory_space<vmem>>, vector<16xf32>,
        %add3A_117 = vector.broadcast %mul3A_93 : i32 to vector<16xi32>
        %add3A_118 = arith.addi %iota3A, %add3A_117 : vector<16xi32>
        %mul3A_119 = arith.constant 3 : i32
        %mul3A_120 = vector.broadcast %mul3A_119 : i32 to vector<16xi32>
        %mul3A_121 = arith.muli %add3A_118, %mul3A_120 : vector<16xi32>
        %lt3A_122 = arith.constant 5447 : i32
        %lt3A_123 = vector.broadcast %lt3A_122 : i32 to vector<16xi32>
        %lt3A_124 = arith.cmpi slt, %add3A_118, %lt3A_123 : vector<16xi32>
        %add3A_125 = arith.constant 0 : i32
        %add3A_126 = vector.broadcast %add3A_125 : i32 to vector<16xi32>
        %add3A_127 = arith.addi %get3A_96, %add3A_126 : vector<16xi32>
        %gather3A = tpu.vector_load_idx %arg9[%add3A_127] : memref<20670xf32, #tpu.memory_space<vmem>>[vector<16xi32>], vector<16xf32>,
        %add3A_128 = arith.constant 0 : i32
        %add3A_129 = vector.broadcast %add3A_128 : i32 to vector<16xi32>
        %add3A_130 = arith.addi %get3A_100, %add3A_129 : vector<16xi32>
        %gather3A_131 = tpu.vector_load_idx %arg9[%add3A_130] : memref<20670xf32, #tpu.memory_space<vmem>>[vector<16xi32>], vector<16xf32>,
        %add3A_132 = arith.constant 0 : i32
        %add3A_133 = vector.broadcast %add3A_132 : i32 to vector<16xi32>
        %add3A_134 = arith.addi %get3A_104, %add3A_133 : vector<16xi32>
        %gather3A_135 = tpu.vector_load_idx %arg9[%add3A_134] : memref<20670xf32, #tpu.memory_space<vmem>>[vector<16xi32>], vector<16xf32>,
        %mul3A_136 = arith.mulf %gather3A, %get3A_108 : vector<16xf32>
        %mul3A_137 = arith.mulf %gather3A_131, %get3A_112 : vector<16xf32>
        %add3A_138 = arith.addf %mul3A_136, %mul3A_137 : vector<16xf32>
        %mul3A_139 = arith.mulf %gather3A_135, %get3A_116 : vector<16xf32>
        %add3A_140 = arith.addf %add3A_138, %mul3A_139 : vector<16xf32>
        %add3A_141 = arith.constant 0 : i32
        %add3A_142 = vector.broadcast %add3A_141 : i32 to vector<16xi32>
        %add3A_143 = arith.addi %mul3A_121, %add3A_142 : vector<16xi32>
        %jit3A = arith.constant 1257 : i32
        %div3A = vector.broadcast %jit3A : i32 to vector<16xi32>
        %div3A_144 = arith.divsi %add3A_143, %div3A : vector<16xi32>
        %sign3A = arith.constant 0 : i32
        %sign3A_145 = vector.broadcast %sign3A : i32 to vector<16xi32>
        %sign3A_146 = arith.cmpi sgt, %add3A_143, %sign3A_145 : vector<16xi32>
        %sign3A_147 = arith.extui %sign3A_146 : vector<16xi1> to vector<16xi32>
        %sign3A_148 = arith.constant 0 : i32
        %sign3A_149 = vector.broadcast %sign3A_148 : i32 to vector<16xi32>
        %sign3A_150 = arith.cmpi slt, %add3A_143, %sign3A_149 : vector<16xi32>
        %sign3A_151 = arith.extui %sign3A_150 : vector<16xi1> to vector<16xi32>
        %sign3A_152 = arith.subi %sign3A_147, %sign3A_151 : vector<16xi32>
        %sign3A_153 = arith.constant 0 : i32
        %sign3A_154 = arith.cmpi sgt, %jit3A, %sign3A_153 : i32
        %sign3A_155 = arith.extui %sign3A_154 : i1 to i32
        %sign3A_156 = arith.constant 0 : i32
        %sign3A_157 = arith.cmpi slt, %jit3A, %sign3A_156 : i32
        %sign3A_158 = arith.extui %sign3A_157 : i1 to i32
        %sign3A_159 = arith.subi %sign3A_155, %sign3A_158 : i32
        %ne3A = vector.broadcast %sign3A_159 : i32 to vector<16xi32>
        %ne3A_160 = arith.cmpi ne, %sign3A_152, %ne3A : vector<16xi32>
        %rem3A = vector.broadcast %jit3A : i32 to vector<16xi32>
        %rem3A_161 = arith.remsi %add3A_143, %rem3A : vector<16xi32>
        %ne3A_162 = arith.constant 0 : i32
        %ne3A_163 = vector.broadcast %ne3A_162 : i32 to vector<16xi32>
        %ne3A_164 = arith.cmpi ne, %rem3A_161, %ne3A_163 : vector<16xi32>
        %and3A = arith.andi %ne3A_160, %ne3A_164 : vector<16xi1>
        %sub3A = arith.constant 1 : i32
        %sub3A_165 = vector.broadcast %sub3A : i32 to vector<16xi32>
        %sub3A_166 = arith.subi %div3A_144, %sub3A_165 : vector<16xi32>
        %select_n3A = arith.select %and3A, %sub3A_166, %div3A_144 : vector<16xi1>, vector<16xi32>
        %mul3A_167 = arith.constant 1257 : i32
        %mul3A_168 = vector.broadcast %mul3A_167 : i32 to vector<16xi32>
        %mul3A_169 = arith.muli %select_n3A, %mul3A_168 : vector<16xi32>
        %sub3A_170 = arith.subi %add3A_143, %mul3A_169 : vector<16xi32>
        tpu.vector_store_idx %arg11[%select_n3A, %sub3A_170], %add3A_140 masked %lt3A_124 : memref<13x1264xf32, #tpu.memory_space<vmem>>[vector<16xi32>, vector<16xi32>], vector<16xf32>, vector<16xi1>
        %add3A_171 = arith.constant 1 : i32
        %add3A_172 = vector.broadcast %add3A_171 : i32 to vector<16xi32>
        %add3A_173 = arith.addi %get3A_96, %add3A_172 : vector<16xi32>
        %gather3A_174 = tpu.vector_load_idx %arg9[%add3A_173] : memref<20670xf32, #tpu.memory_space<vmem>>[vector<16xi32>], vector<16xf32>,
        %add3A_175 = arith.constant 1 : i32
        %add3A_176 = vector.broadcast %add3A_175 : i32 to vector<16xi32>
        %add3A_177 = arith.addi %get3A_100, %add3A_176 : vector<16xi32>
        %gather3A_178 = tpu.vector_load_idx %arg9[%add3A_177] : memref<20670xf32, #tpu.memory_space<vmem>>[vector<16xi32>], vector<16xf32>,
        %add3A_179 = arith.constant 1 : i32
        %add3A_180 = vector.broadcast %add3A_179 : i32 to vector<16xi32>
        %add3A_181 = arith.addi %get3A_104, %add3A_180 : vector<16xi32>
        %gather3A_182 = tpu.vector_load_idx %arg9[%add3A_181] : memref<20670xf32, #tpu.memory_space<vmem>>[vector<16xi32>], vector<16xf32>,
        %mul3A_183 = arith.mulf %gather3A_174, %get3A_108 : vector<16xf32>
        %mul3A_184 = arith.mulf %gather3A_178, %get3A_112 : vector<16xf32>
        %add3A_185 = arith.addf %mul3A_183, %mul3A_184 : vector<16xf32>
        %mul3A_186 = arith.mulf %gather3A_182, %get3A_116 : vector<16xf32>
        %add3A_187 = arith.addf %add3A_185, %mul3A_186 : vector<16xf32>
        %add3A_188 = arith.constant 1 : i32
        %add3A_189 = vector.broadcast %add3A_188 : i32 to vector<16xi32>
        %add3A_190 = arith.addi %mul3A_121, %add3A_189 : vector<16xi32>
        %jit3A_191 = arith.constant 1257 : i32
        %div3A_192 = vector.broadcast %jit3A_191 : i32 to vector<16xi32>
        %div3A_193 = arith.divsi %add3A_190, %div3A_192 : vector<16xi32>
        %sign3A_194 = arith.constant 0 : i32
        %sign3A_195 = vector.broadcast %sign3A_194 : i32 to vector<16xi32>
        %sign3A_196 = arith.cmpi sgt, %add3A_190, %sign3A_195 : vector<16xi32>
        %sign3A_197 = arith.extui %sign3A_196 : vector<16xi1> to vector<16xi32>
        %sign3A_198 = arith.constant 0 : i32
        %sign3A_199 = vector.broadcast %sign3A_198 : i32 to vector<16xi32>
        %sign3A_200 = arith.cmpi slt, %add3A_190, %sign3A_199 : vector<16xi32>
        %sign3A_201 = arith.extui %sign3A_200 : vector<16xi1> to vector<16xi32>
        %sign3A_202 = arith.subi %sign3A_197, %sign3A_201 : vector<16xi32>
        %sign3A_203 = arith.constant 0 : i32
        %sign3A_204 = arith.cmpi sgt, %jit3A_191, %sign3A_203 : i32
        %sign3A_205 = arith.extui %sign3A_204 : i1 to i32
        %sign3A_206 = arith.constant 0 : i32
        %sign3A_207 = arith.cmpi slt, %jit3A_191, %sign3A_206 : i32
        %sign3A_208 = arith.extui %sign3A_207 : i1 to i32
        %sign3A_209 = arith.subi %sign3A_205, %sign3A_208 : i32
        %ne3A_210 = vector.broadcast %sign3A_209 : i32 to vector<16xi32>
        %ne3A_211 = arith.cmpi ne, %sign3A_202, %ne3A_210 : vector<16xi32>
        %rem3A_212 = vector.broadcast %jit3A_191 : i32 to vector<16xi32>
        %rem3A_213 = arith.remsi %add3A_190, %rem3A_212 : vector<16xi32>
        %ne3A_214 = arith.constant 0 : i32
        %ne3A_215 = vector.broadcast %ne3A_214 : i32 to vector<16xi32>
        %ne3A_216 = arith.cmpi ne, %rem3A_213, %ne3A_215 : vector<16xi32>
        %and3A_217 = arith.andi %ne3A_211, %ne3A_216 : vector<16xi1>
        %sub3A_218 = arith.constant 1 : i32
        %sub3A_219 = vector.broadcast %sub3A_218 : i32 to vector<16xi32>
        %sub3A_220 = arith.subi %div3A_193, %sub3A_219 : vector<16xi32>
        %select_n3A_221 = arith.select %and3A_217, %sub3A_220, %div3A_193 : vector<16xi1>, vector<16xi32>
        %mul3A_222 = arith.constant 1257 : i32
        %mul3A_223 = vector.broadcast %mul3A_222 : i32 to vector<16xi32>
        %mul3A_224 = arith.muli %select_n3A_221, %mul3A_223 : vector<16xi32>
        %sub3A_225 = arith.subi %add3A_190, %mul3A_224 : vector<16xi32>
        tpu.vector_store_idx %arg11[%select_n3A_221, %sub3A_225], %add3A_187 masked %lt3A_124 : memref<13x1264xf32, #tpu.memory_space<vmem>>[vector<16xi32>, vector<16xi32>], vector<16xf32>, vector<16xi1>
        %add3A_226 = arith.constant 2 : i32
        %add3A_227 = vector.broadcast %add3A_226 : i32 to vector<16xi32>
        %add3A_228 = arith.addi %get3A_96, %add3A_227 : vector<16xi32>
        %gather3A_229 = tpu.vector_load_idx %arg9[%add3A_228] : memref<20670xf32, #tpu.memory_space<vmem>>[vector<16xi32>], vector<16xf32>,
        %add3A_230 = arith.constant 2 : i32
        %add3A_231 = vector.broadcast %add3A_230 : i32 to vector<16xi32>
        %add3A_232 = arith.addi %get3A_100, %add3A_231 : vector<16xi32>
        %gather3A_233 = tpu.vector_load_idx %arg9[%add3A_232] : memref<20670xf32, #tpu.memory_space<vmem>>[vector<16xi32>], vector<16xf32>,
        %add3A_234 = arith.constant 2 : i32
        %add3A_235 = vector.broadcast %add3A_234 : i32 to vector<16xi32>
        %add3A_236 = arith.addi %get3A_104, %add3A_235 : vector<16xi32>
        %gather3A_237 = tpu.vector_load_idx %arg9[%add3A_236] : memref<20670xf32, #tpu.memory_space<vmem>>[vector<16xi32>], vector<16xf32>,
        %mul3A_238 = arith.mulf %gather3A_229, %get3A_108 : vector<16xf32>
        %mul3A_239 = arith.mulf %gather3A_233, %get3A_112 : vector<16xf32>
        %add3A_240 = arith.addf %mul3A_238, %mul3A_239 : vector<16xf32>
        %mul3A_241 = arith.mulf %gather3A_237, %get3A_116 : vector<16xf32>
        %add3A_242 = arith.addf %add3A_240, %mul3A_241 : vector<16xf32>
        %add3A_243 = arith.constant 2 : i32
        %add3A_244 = vector.broadcast %add3A_243 : i32 to vector<16xi32>
        %add3A_245 = arith.addi %mul3A_121, %add3A_244 : vector<16xi32>
        %jit3A_246 = arith.constant 1257 : i32
        %div3A_247 = vector.broadcast %jit3A_246 : i32 to vector<16xi32>
        %div3A_248 = arith.divsi %add3A_245, %div3A_247 : vector<16xi32>
        %sign3A_249 = arith.constant 0 : i32
        %sign3A_250 = vector.broadcast %sign3A_249 : i32 to vector<16xi32>
        %sign3A_251 = arith.cmpi sgt, %add3A_245, %sign3A_250 : vector<16xi32>
        %sign3A_252 = arith.extui %sign3A_251 : vector<16xi1> to vector<16xi32>
        %sign3A_253 = arith.constant 0 : i32
        %sign3A_254 = vector.broadcast %sign3A_253 : i32 to vector<16xi32>
        %sign3A_255 = arith.cmpi slt, %add3A_245, %sign3A_254 : vector<16xi32>
        %sign3A_256 = arith.extui %sign3A_255 : vector<16xi1> to vector<16xi32>
        %sign3A_257 = arith.subi %sign3A_252, %sign3A_256 : vector<16xi32>
        %sign3A_258 = arith.constant 0 : i32
        %sign3A_259 = arith.cmpi sgt, %jit3A_246, %sign3A_258 : i32
        %sign3A_260 = arith.extui %sign3A_259 : i1 to i32
        %sign3A_261 = arith.constant 0 : i32
        %sign3A_262 = arith.cmpi slt, %jit3A_246, %sign3A_261 : i32
        %sign3A_263 = arith.extui %sign3A_262 : i1 to i32
        %sign3A_264 = arith.subi %sign3A_260, %sign3A_263 : i32
        %ne3A_265 = vector.broadcast %sign3A_264 : i32 to vector<16xi32>
        %ne3A_266 = arith.cmpi ne, %sign3A_257, %ne3A_265 : vector<16xi32>
        %rem3A_267 = vector.broadcast %jit3A_246 : i32 to vector<16xi32>
        %rem3A_268 = arith.remsi %add3A_245, %rem3A_267 : vector<16xi32>
        %ne3A_269 = arith.constant 0 : i32
        %ne3A_270 = vector.broadcast %ne3A_269 : i32 to vector<16xi32>
        %ne3A_271 = arith.cmpi ne, %rem3A_268, %ne3A_270 : vector<16xi32>
        %and3A_272 = arith.andi %ne3A_266, %ne3A_271 : vector<16xi1>
        %sub3A_273 = arith.constant 1 : i32
        %sub3A_274 = vector.broadcast %sub3A_273 : i32 to vector<16xi32>
        %sub3A_275 = arith.subi %div3A_248, %sub3A_274 : vector<16xi32>
        %select_n3A_276 = arith.select %and3A_272, %sub3A_275, %div3A_248 : vector<16xi1>, vector<16xi32>
        %mul3A_277 = arith.constant 1257 : i32
        %mul3A_278 = vector.broadcast %mul3A_277 : i32 to vector<16xi32>
        %mul3A_279 = arith.muli %select_n3A_276, %mul3A_278 : vector<16xi32>
        %sub3A_280 = arith.subi %add3A_245, %mul3A_279 : vector<16xi32>
        tpu.vector_store_idx %arg11[%select_n3A_276, %sub3A_280], %add3A_242 masked %lt3A_124 : memref<13x1264xf32, #tpu.memory_space<vmem>>[vector<16xi32>, vector<16xi32>], vector<16xf32>, vector<16xi1>
      }
      %scan3A_87 = arith.constant 341 : i32
      %dma_start3A_88 = arith.constant 0 : i32
      %dma_start3A_89 = arith.constant 0 : i32
      %dma_start3A_90 = tpu.memref_slice %arg5[%dma_start3A_88, %dma_start3A_89] : memref<25600x1264xf32, #tpu.memory_space<hbm>> -> memref<25600x1264xf32, #tpu.memory_space<hbm>>
      tpu.enqueue_indirect_dma source(%arg11 : memref<13x1264xf32, #tpu.memory_space<vmem>>) target(%dma_start3A_90 : memref<25600x1264xf32, #tpu.memory_space<hbm>>) offsets(%arg13 : memref<13xi32, #tpu.memory_space<vmem>>) semaphore(%arg17 : memref<!tpu.dma_semaphore, #tpu.memory_space<semaphore_mem>>)
    }
    %scan3A_15 = arith.constant 32 : i32
    %dma_wait3A = arith.constant 0 : i32
    %dma_wait3A_16 = arith.constant 0 : i32
    %dma_wait3A_17 = tpu.memref_slice %arg5[%dma_wait3A, %dma_wait3A_16] : memref<25600x1264xf32, #tpu.memory_space<hbm>> -> memref<25600x1264xf32, #tpu.memory_space<hbm>>
    tpu.wait_indirect_dma semaphore(%arg16 : memref<!tpu.dma_semaphore, #tpu.memory_space<semaphore_mem>>) src(%arg10 : memref<13x1264xf32, #tpu.memory_space<vmem>>) dst(%dma_wait3A_17 : memref<25600x1264xf32, #tpu.memory_space<hbm>>)
    %dma_wait3A_18 = arith.constant 0 : i32
    %dma_wait3A_19 = arith.constant 0 : i32
    %dma_wait3A_20 = tpu.memref_slice %arg5[%dma_wait3A_18, %dma_wait3A_19] : memref<25600x1264xf32, #tpu.memory_space<hbm>> -> memref<25600x1264xf32, #tpu.memory_space<hbm>>
    tpu.wait_indirect_dma semaphore(%arg17 : memref<!tpu.dma_semaphore, #tpu.memory_space<semaphore_mem>>) src(%arg11 : memref<13x1264xf32, #tpu.memory_space<vmem>>) dst(%dma_wait3A_20 : memref<25600x1264xf32, #tpu.memory_space<hbm>>)
    return
  }
}

</mosaic_0001>

<sc_bundles>
// kernel: kernel.3.cloned.1.call-start
scs
__scs_entry_jumppad:
0x0: {  	(pc) =	sbr.rel $0x88, $3  }
0x1: {  	(tag) =	ssettag $0x0;
	lr =	simm.s32 $0x1  }
0x2: {  	[smem:$0x3F9E] =	sst lr;
	_ =	strace $0xD0000000  }
0x3: {  	_ = 	snop  }
0x4: {  	_ = 	snop  }
0x5: {  	_ = 	snop  }
0x6: {  	_ = 	snop  }
0x7: {  	_ = 	snop  }
__scs_overlays_trampoline_lowered:
0x8: {  	[smem:$0x3FAD] =	sst s0  }
0x9: {  	[smem:$0x3FAE] =	sst s1  }
0xa: {  	[smem:$0x3FAF] =	sst s2  }
0xb: {  	[smem:$0x3FB0] =	sst s3  }
0xc: {  	[smem:$0x3FB1] =	sst s4  }
0xd: {  	[smem:$0x3FB2] =	sst s5  }
0xe: {  	[smem:$0x3FB3] =	sst s6  }
0xf: {  	[smem:$0x3FB4] =	sst s7  }
0x10: {  	[smem:$0x3FB5] =	sst s8  }
0x11: {  	[smem:$0x3FB6] =	sst s9;
	s0 =	simm.s32 @!p0 $0x0  }
0x12: {  	s1 =	sld [smem:$0x3F9C];
	s0 =	simm.s32 @p0 $0x1  }
0x13: {  	[smem:$0x3FB7] =	sst s0;
	s0 =	simm.s32 @!p1 $0x0  }
0x14: {  	s2 =	sld [smem:$0x3F9B];
	s0 =	simm.s32 @p1 $0x1  }
0x15: {  	[smem:$0x3FB8] =	sst s0;
	s0 =	simm.s32 @!p2 $0x0  }
0x16: {  	s3 =	sld [smem:$0x3FDB];
	s0 =	simm.s32 @p2 $0x1  }
0x17: {  	s4 =	simm.s32 $0x1BF5;
	[smem:$0x3FBA] =	sst s0  }
0x18: {  	s0 =	sld [smem:$0x3F9D];
	_ =	swait.ge [sflag:s4], $0x0  }
0x19: {  	s7 =	sld [smem:$0x3F9E]  }
0x1a: {  	s8 =	sadd.s32 $0xFFFFE003, lr  }
0x1b: {  	s9 =	sadd.s32 $0xFFFFFEF7, lr;
	s5 =	simm.s32 $0xFFFFFFFF;
	p2 =	slt.u32 s8, $0xFFFFF086  }
0x1c: {  	p1 =	slt.u32 s9, $0xF7A;
	s5 =	simm.s32 @!p2 $0x0  }
0x1d: {  	s5 =	simm.s32 @p1 $0x1;
	p0 =	seq.s32 s7, s2  }
0x1e: {  	s7 =	smul.u32 @!p0 $0xF7A, s2;
	p2 =	seq.s32 @!p0 s5, $0x0  }
0x1f: {  	s9 =	smul.u32 $0xF7A, s1;
	s8 =	simm.s32 @!p0 $0x1BF5;
	p2 =	por !p2, p0  }
0x20: {  	[sflag:s8] =	ssyncset.s32 @!p0 $0xFFFFF086;
	s6 =	sadd.s32 @!p0 s3, s7;
	s7 =	simm.s32 @!p0 $0x108  }
0x21: {  	s3 =	sadd.s32 s3, s9;
	s6 =	sadd.s32 @!p0 $0x88, s6;
	s7 =	simm.s32 @p2 $0x1082  }
0x22: {  	[simem:s7], [sflag:s8] =	dma.local @!p0 [hbm:s6], $0xF7A  }
0x23: {  	s9 =	sor.u32 $0xD0000000, s2;
	s6 =	simm.s32 $0x108;
	_ =	swait.ge @!p0 [sflag:s8], $0x0  }
0x24: {  	s3 =	sadd.s32 $0x88, s3;
	s6 =	simm.s32 @!p1 $0x1082;
	[sflag:s4] =	ssyncset.s32 $0xFFFFF086  }
0x25: {  	[simem:s6], [sflag:s4] =	dma.local [hbm:s3], $0xF7A  }
0x26: {  	[smem:$0x3F9E] =	sst s1;
	(tag) =	ssettag s2;
	_ =	strace s9  }
0x27: {  	s1 =	sld [smem:$0x3FAE]  }
0x28: {  	s2 =	sld [smem:$0x3FAF]  }
0x29: {  	s4 =	sld [smem:$0x3FB1]  }
0x2a: {  	p0 =	seq.s32 s5, $0x0;
	s5 =	sld [smem:$0x3FB2]  }
0x2b: {  	s6 =	sld [smem:$0x3FB3]  }
0x2c: {  	s7 =	sld [smem:$0x3FB4]  }
0x2d: {  	s3 =	simm.s32 $0x108;
	s8 =	sld [smem:$0x3FB5]  }
0x2e: {  	s3 =	simm.s32 @!p0 $0x1082;
	s9 =	sld [smem:$0x3FB6]  }
0x2f: {  	lr =	sadd.s32 s0, s3;
	s0 =	sld [smem:$0x3FAD]  }
0x30: {  	s3 =	sld [smem:$0x3FB0]  }
0x31: {  	[smem:$0x3FB9] =	sst s10  }
0x32: {  	s10 =	sld [smem:$0x3FB7];
	_ =	sdelay $0x3  }
0x33: {  	p0 =	seq.s32 s10, $0x1;
	s10 =	sld [smem:$0x3FB9];
	_ =	sdelay $0x3  }
0x34: {  	[smem:$0x3FB9] =	sst s10  }
0x35: {  	s10 =	sld [smem:$0x3FB8];
	_ =	sdelay $0x3  }
0x36: {  	p1 =	seq.s32 s10, $0x1;
	s10 =	sld [smem:$0x3FB9];
	_ =	sdelay $0x3  }
0x37: {  	[smem:$0x3FB9] =	sst s10  }
0x38: {  	s10 =	sld [smem:$0x3FBA]  }
0x39: {  	_ = 	snop;
	(pc) =	sbr.ind lr, $3  }
0x3a: {  	_ = 	snop  }
0x3b: {  	_ = 	snop  }
0x3c: {  	p2 =	seq.s32 s10, $0x1;
	s10 =	sld [smem:$0x3FB9]  }
0x3d: {  	_ =	shalt  }
0x3e: {  	_ =	shalt  }
0x3f: {  	_ =	shalt  }
0x40: {  	_ =	shalt  }
0x41: {  	_ =	shalt  }
0x42: {  	_ =	shalt  }
0x43: {  	_ =	shalt  }
0x44: {  	_ =	shalt  }
0x45: {  	_ =	shalt  }
0x46: {  	_ =	shalt  }
0x47: {  	_ =	shalt  }
0x48: {  	_ =	shalt  }
0x49: {  	_ =	shalt  }
0x4a: {  	_ =	shalt  }
0x4b: {  	_ =	shalt  }
0x4c: {  	_ =	shalt  }
0x4d: {  	_ =	shalt  }
0x4e: {  	_ =	shalt  }
0x4f: {  	_ =	shalt  }
0x50: {  	_ =	shalt  }
0x51: {  	_ =	shalt  }
0x52: {  	_ =	shalt  }
0x53: {  	_ =	shalt  }
0x54: {  	_ =	shalt  }
0x55: {  	_ =	shalt  }
0x56: {  	_ =	shalt  }
0x57: {  	_ =	shalt  }
0x58: {  	_ =	shalt  }
0x59: {  	_ =	shalt  }
0x5a: {  	_ =	shalt  }
0x5b: {  	_ =	shalt  }
0x5c: {  	_ =	shalt  }
0x5d: {  	_ =	shalt  }
0x5e: {  	_ =	shalt  }
0x5f: {  	_ =	shalt  }
0x60: {  	_ =	shalt  }
0x61: {  	_ =	shalt  }
0x62: {  	_ =	shalt  }
0x63: {  	_ =	shalt  }
0x64: {  	_ =	shalt  }
0x65: {  	_ =	shalt  }
0x66: {  	_ =	shalt  }
0x67: {  	_ =	shalt  }
0x68: {  	_ =	shalt  }
0x69: {  	_ =	shalt  }
0x6a: {  	_ =	shalt  }
0x6b: {  	_ =	shalt  }
0x6c: {  	_ =	shalt  }
0x6d: {  	_ =	shalt  }
0x6e: {  	_ =	shalt  }
0x6f: {  	_ =	shalt  }
0x70: {  	_ =	shalt  }
0x71: {  	_ =	shalt  }
0x72: {  	_ =	shalt  }
0x73: {  	_ =	shalt  }
0x74: {  	_ =	shalt  }
0x75: {  	_ =	shalt  }
0x76: {  	_ =	shalt  }
0x77: {  	_ =	shalt  }
0x78: {  	_ =	shalt  }
0x79: {  	_ =	shalt  }
0x7a: {  	_ =	shalt  }
0x7b: {  	_ =	shalt  }
0x7c: {  	_ =	shalt  }
0x7d: {  	_ =	shalt  }
0x7e: {  	_ =	shalt  }
0x7f: {  	_ =	shalt  }
0x80: {  	_ =	shalt  }
0x81: {  	_ =	shalt  }
0x82: {  	_ =	shalt  }
0x83: {  	_ =	shalt  }
0x84: {  	_ =	shalt  }
0x85: {  	_ =	shalt  }
0x86: {  	_ =	shalt  }
0x87: {  	_ =	shalt  }
.Lfunc_end0:
.L_simem_size_0:
called_computation.3_lowered:
.L_overlay_start_0:
0x88: {  	s2 =	sld [smem:$0x3FD9]  }
0x89: {  	s3 =	sld [smem:$0x3FFE];
	_ =	sdelay $0x1  }
0x8a: {  	s1 =	srdreg.scid  }
0x8b: {  	s0 =	sand.u32 $0x1, s1  }
0x8c: {  	s16 =	sshll.u32 s0, $0xA;
	s2 =	sadd.s32 s3, s2  }
0x8d: {  	s2 =	sadd.s32 s2, s16  }
0x8e: {  	[smem:$0x3FC5] =	sst s2  }
0x8f: {  	_ = 	snop  }
0x90: {  	(tm) =	ssettm $0x1  }
0x91: {  	s17 =	sld [smem:$0x3FFB];
	_ =	sdelay $0x3  }
0x92: {  	_ =	strace s17  }
0x93: {  	s2 =	sld [smem:$0x3FFC];
	_ =	sdelay $0x3  }
0x94: {  	_ =	strace s2  }
0x95: {  	s2 =	sld [smem:$0x3FFD];
	_ =	sdelay $0x3  }
0x96: {  	_ =	strace s2  }
0x97: {  	_ =	strace $0x8FFFFFFF  }
0x98: {  	s18 =	sld [smem:$0x3FDB];
	_ =	sdelay $0x1  }
0x99: {  	s19 =	simm.s32 $_scs_section_size  }
0x9a: {  	s4 =	simm.s32 $_size__tile_overlayer_lowered;
	s5 =	simm.s32 $_tile_overlayer_lowered  }
0x9b: {  	s22 =	simm.s32 $0x1BFF;
	s21 =	sshll.u32 s5, $0x1;
	s2 =	sadd.s32 s19, s18  }
0x9c: {  	s6 =	simm.s32 $0x0;
	s20 =	sshll.u32 s4, $0x1;
	s4 =	sadd.s32 s21, s2  }
0x9d: {  	[timem:s6], [sflag:s22] =	dma.local [hbm:s4], s20  }
0x9e: {  	_ =	swait.ge [sflag:s22], s20  }
0x9f: {  	s3 =	ssub.s32 $0x0, s20;
	[sflag:s22] =	ssyncset.done $0x0  }
0xa0: {  	[sflag:s22] =	ssyncadd.s32 s3;
	_ =	sdelay $0x1  }
0xa1: {  	s23 =	simm.s32 $0x1B8B  }
0xa2: {  	_ =	swait.ge [sflag:s23], $0x1  }
0xa3: {  	[sflag:s23] =	ssyncset.done $0x0  }
0xa4: {  	s25 =	simm.s32 $0x1B8E;
	s24 =	sld [smem:$0x3FFE];
	[sflag:s23] =	ssyncadd.s32 $0xFFFFFFFF  }
0xa5: {  	s26 =	simm.s32 $execute0_lowered;
	[smem:$0x3FD2] =	sst s25  }
0xa6: {  	s4 =	sshll.u32 s26, $0x1;
	_ =	strace $0x80000049;
	[dreg:$0x1] =	wrdreg $0xFFFFFFFF  }
0xa7: {  	s28 =	simm.s32 $_size_execute0_lowered;
	s2 =	sadd.s32 s2, s4;
	[dreg:$0x0] =	wrdreg $0x0  }
0xa8: {  	s4 =	sshll.u32 s28, $0x1;
	[dreg:$0x2] =	wrdreg s2  }
0xa9: {  	[dreg:$0x3] =	wrdreg s4  }
0xaa: {  	[dreg:$0x4] =	wrdreg $0xC0  }
0xab: {  	_ =	task [dreg:s6], $0x5FFFF  }
0xac: {  	[dreg:$0x1] =	wrdreg $0xFFFFFFFF  }
0xad: {  	[dreg:$0x0] =	wrdreg $0x60  }
0xae: {  	[dreg:$0x2] =	wrdreg s24  }
0xaf: {  	[dreg:$0x3] =	wrdreg $0x9  }
0xb0: {  	_ =	task.clear_ibuf [dreg:s6], $0x4FFFF;
	_ =	strace $0x90000049  }
0xb1: {  	s29 =	simm.s32 $0x9;
	_ =	strace $0x8000004B  }
0xb2: {  	_ =	swait.ge [sflag:s29], $0x1  }
0xb3: {  	[sflag:s29] =	ssyncadd.s32 $0xFFFFFFFF  }
0xb4: {  	_ =	strace $0x9000004B  }
0xb5: {  	_ =	sfence  }
0xb6: {  	s30 =	sld [smem:$0x0];
	_ =	sdelay $0x2  }
0xb7: {  	s31 =	sshll.u32 s1, $0xD;
	s1 =	sshrl.u32 s1, $0x2  }
0xb8: {  	s3 =	sand.u32 $0x4000, s31;
	s1 =	sadd.s32 s1, s30  }
0xb9: {  	s0 =	sor.u32 s3, s0;
	s1 =	sshll.u32 s1, $0x11  }
0xba: {  	s0 =	sor.u32 s1, s0  }
0xbb: {  	s0 =	sadd.s32 $0x8F2B, s0  }
0xbc: {  	[sflag:s0] =	ssyncadd.remote.s32 $0x1  }
0xbd: {  	_ =	sfence.sel $0xFFFF  }
0xbe: {  	[dreg:$0x0] =	wrdreg $0xFFFFFFFF;
	(pc) =	sbr.abs _section_cstart, $3  }
0xbf: {  	[dreg:$0x1] =	wrdreg $0xFFFFFFFF  }
0xc0: {  	_ =	task.clear_ibuf [dreg:s6], $0x2FFFF;
	_ =	strace $0x9FFFFFFF  }
0xc1: {  	(tm) =	ssettm $0x7FFFFFFF  }
tec
execute0_lowered:
.L_overlay_start_1:
0x0: {  	(tag) =	ssettag $0x1  }
0x1: {  	s4 =	rddreg [dreg:$0x0]  }
0x2: {  	s2 =	srdreg.scid;
	s0 =	rddreg [dreg:$0x1]  }
0x3: {  	s1 =	simm.s32 $0x0;
	s11 =	simm.s32 $0x3FF0;
	s12 =	simm.s32 $0x7FE0  }
0x4: {  	s13 =	simm.s32 $0x1;
	s14 =	simm.s32 $0xD0A0;
	s15 =	simm.s32 $0x1A1C0  }
0x5: {  	s16 =	simm.s32 $0x12160;
	s17 =	simm.s32 $0xD;
	s18 =	simm.s32 $0x2  }
0x6: {  	s19 =	simm.s32 $0x1A1D0;
	s20 =	simm.s32 $0x16190;
	s22 =	simm.s32 $0x4  }
0x7: {  	s23 =	simm.s32 $0x0;
	s8 =	sand.u32 $0x1, s2;
	[smem:$0x7FF] =	sst s1  }
0x8: {  	s3 =	sadd.s32 $0x1A00, s4;
	s2 =	smul.u32 $0x7FE, s8;
	s5 =	ssub.s32 $0x2, s8  }
0x9: {  	_ =	strace $0x8000004A;
	s21 =	smul.u32 $0xC, s8;
	s6 =	sshrl.u32 s5, $0x1  }
0xa: {  	v0 =	vlaneseq.u32;
	s7 =	sadd.s32 s2, s4;
	s2 =	stileid.u32;
	s4 =	sadd.s32 $0x511A00, s4  }
0xb: {  	s10 =	ssub.s32 s5, s6;
	v1 =	vadd.s32 s21, v0;
	s21 =	simm.s32 $0x3;
	s9 =	smul.u32 $0x28600, s2  }
0xc: {  	s5 =	sshll.u32 s2, $0x6;
	s6 =	sadd.s32 $0x50FA00, s7;
	s7 =	sadd.s32 $0x510A00, s7  }
0xd: {  	v2 =	vimm.s32 $0x0;
	s8 =	sadd.s32 s3, s9;
	s9 =	smax.u32 s10, $0x1;
	s10 =	simm.s32 $0x5  }
.LBB2_1:
0xe: {  	[tilespmem:s1], [sflag:$0x5] =	stream.linear.gather [hbm4b:s6+s1], $0x3FF0, $0x38;
	[tilespmem:$0x1A1E0] =	vst v63  }
0xf: {  	_ =	swait.ge [sflag:s10], $0x3FF0  }
0x10: {  	[sflag:s10] =	ssyncset.done $0x0  }
0x11: {  	[sflag:s10] =	ssyncadd.s32 $0xFFFFC010  }
0x12: {  	[tilespmem:s11], [sflag:$0x5] =	stream.linear.gather [hbm4b:s7+s1], $0x3FF0, $0x38;
	[tilespmem:$0x1A1E0] =	vst v63  }
0x13: {  	_ =	swait.ge [sflag:s10], $0x3FF0  }
0x14: {  	[sflag:s10] =	ssyncset.done $0x0  }
0x15: {  	s24 =	simm.s32 $0x0;
	[sflag:s10] =	ssyncadd.s32 $0xFFFFC010  }
0x16: {  	[tilespmem:s12], [sflag:$0x1] =	stream.linear.gather [hbm4b:s8+s1], $0x50C0, $0x38;
	[tilespmem:$0x1A1E0] =	vst v63  }
.LBB2_2:
0x17: {  	s25 =	sshll.u32 s24, $0x1  }
0x18: {  	s25 =	sor.u32 s5, s25  }
0x19: {  	s26 =	smul.u32 $0x50C0, s25;
	_ =	sdelay $0x1  }
0x1a: {  	_ =	swait.ge [sflag:s13], $0x50C0;
	s26 =	sshrl.u32 s26, $0x3  }
0x1b: {  	[sflag:s13] =	ssyncset.done $0x0;
	s26 =	sadd.s32 s3, s26  }
0x1c: {  	p0 =	seq.s32 s24, $0x0;
	[sflag:s13] =	ssyncadd.s32 $0xFFFFAF40;
	s26 =	sadd.s32 $0xA18, s26  }
0x1d: {  	[tilespmem:s14], [sflag:$0x2] =	stream.linear.gather [hbm4b:s26+s1], $0x50C0, $0x38;
	[tilespmem:$0x1A1E0] =	vst v63  }
0x1e: {  	s26 =	simm.s32 @!p0 $0x3  }
0x1f: {  	s28 =	smul.u32 $0x19, s25;
	_ =	swait.ge @!p0 [sflag:s26], $0x4030  }
0x20: {  	[sflag:s26] =	ssyncset.done @!p0 $0x0  }
0x21: {  	v3 =	vadd.s32 s28, v1;
	[sflag:s26] =	ssyncadd.s32 @!p0 $0xFFFFBFD0  }
0x22: {  	s26 =	simm.s32 $0x1550;
	[tilespmem:v0+s15+$0x0] =	vst.idx.msk $0x1fff, v3  }
0x23: {  	v3 =	vld [tilespmem:s26+$0x0]  }
0x24: {  	s29 =	simm.s32 $0x0;
	v4 =	vld [tilespmem:s26+$0xFFFFEAB0]  }
0x25: {  	v6 =	vor.u32 s29, v0  }
0x26: {  	v7 =	vmulhi.u32 $0x38D22D37, v6;
	v5 =	vld [tilespmem:s26+$0x1550]  }
0x27: {  	v8 =	vmul.u32 $0x75EB3A0B, v6  }
0x28: {  	v9 =	vmov s29;
	s28 =	simm.s32 $0x5540;
	v10 =	vsub.s32 v6, v7  }
0x29: {  	vm0 =	veq.s32 v9, v0;
	vm1 =	vgt.u32 v8, $0x342307;
	v52 =	vshrl.u32 v10, $0x1;
	v51 =	vld [tilespmem:s28+$0x0]  }
0x2a: {  	vm0 =	vmand vm0, vm1;
	v7 =	vadd.s32 v7, v52;
	v12 =	vld [tilespmem:s28+$0xFFFFEAB0]  }
0x2b: {  	v11 =	vsel vm0, $0xFFFFFFFF, v2;
	v7 =	vshrl.u32 v7, $0x8;
	v53 =	vld.idx.msk [tilespmem:v3+s12+$0x0], $0xffff  }
0x2c: {  	v7 =	vadd.s32 v11, v7;
	v54 =	vld.idx.msk [tilespmem:v4+s12+$0x0], $0xffff  }
0x2d: {  	v55 =	vmul.u32 $0x3, v6;
	v14 =	vmul.u32 $0xFFFFFB17, v7;
	v15 =	vld [tilespmem:s28+$0x1550]  }
0x2e: {  	v13 =	vld.idx.msk [tilespmem:v5+s12+$0x0], $0xffff  }
0x2f: {  	v7 =	vmul.u32 $0x4F0, v7;
	v14 =	vadd.s32 v55, v14  }
0x30: {  	vm0 =	vlt.u32 v6, $0x1547;
	v6 =	vand.u32 $0xFFFFFFF8, v14;
	v14 =	vand.u32 $0x7, v14  }
0x31: {  	v6 =	vadd.s32 v7, v6;
	v9 =	vmul.f32 v54, v12;
	v10 =	vmul.f32 v53, v51  }
0x32: {  	v6 =	vor.u32 v14, v6  }
0x33: {  	v7 =	vadd.s32 $0x1, v4;
	v56 =	vmul.f32 v13, v15;
	v9 =	vadd.f32 v10, v9  }
0x34: {  	v57 =	vadd.s32 $0x1, v3  }
0x35: {  	v9 =	vadd.f32 v56, v9  }
0x36: {  	v58 =	vadd.s32 $0x1, v55;
	v59 =	vadd.s32 $0x1, v5  }
0x37: {  	v16 =	vmulhi.u32 $0xD08C1E25, v58;
	[tilespmem:v6+s16+$0x0] =	vst.idx.msk vm0, v9  }
0x38: {  	v6 =	vld.idx.msk [tilespmem:v7+s12+$0x0], $0xffff  }
0x39: {  	v7 =	vshrl.u32 v16, $0xA;
	v9 =	vld.idx.msk [tilespmem:v57+s12+$0x0], $0xffff  }
0x3a: {  	v60 =	vmul.u32 $0xFFFFFB17, v7  }
0x3b: {  	v14 =	vld.idx.msk [tilespmem:v59+s12+$0x0], $0xffff  }
0x3c: {  	v7 =	vmul.u32 $0x4F0, v7;
	v10 =	vadd.s32 v58, v60  }
0x3d: {  	v13 =	vand.u32 $0xFFFFFFF8, v10;
	v10 =	vand.u32 $0x7, v10  }
0x3e: {  	v7 =	vadd.s32 v7, v13;
	v6 =	vmul.f32 v6, v12;
	v9 =	vmul.f32 v9, v51  }
0x3f: {  	v7 =	vor.u32 v10, v7  }
0x40: {  	v4 =	vadd.s32 $0x2, v4;
	v61 =	vmul.f32 v14, v15;
	v6 =	vadd.f32 v9, v6  }
0x41: {  	v3 =	vadd.s32 $0x2, v3  }
0x42: {  	v6 =	vadd.f32 v61, v6  }
0x43: {  	v62 =	vadd.s32 $0x2, v55;
	v5 =	vadd.s32 $0x2, v5  }
0x44: {  	[tilespmem:v7+s16+$0x0] =	vst.idx.msk vm0, v6;
	v6 =	vmulhi.u32 $0xD08C1E25, v62  }
0x45: {  	v4 =	vld.idx.msk [tilespmem:v4+s12+$0x0], $0xffff  }
0x46: {  	v3 =	vld.idx.msk [tilespmem:v3+s12+$0x0], $0xffff;
	v6 =	vshrl.u32 v6, $0xA  }
0x47: {  	v7 =	vmul.u32 $0xFFFFFB17, v6  }
0x48: {  	v5 =	vld.idx.msk [tilespmem:v5+s12+$0x0], $0xffff  }
0x49: {  	v6 =	vmul.u32 $0x4F0, v6;
	v7 =	vadd.s32 v62, v7  }
0x4a: {  	v9 =	vand.u32 $0xFFFFFFF8, v7;
	v63 =	vmul.f32 v4, v12  }
0x4b: {  	v8 =	vmul.f32 v3, v51;
	v4 =	vand.u32 $0x7, v7;
	v3 =	vadd.s32 v6, v9  }
0x4c: {  	v3 =	vor.u32 v4, v3  }
0x4d: {  	s29 =	simm.s32 $0x10;
	v4 =	vmul.f32 v5, v15;
	v5 =	vadd.f32 v8, v63  }
.LBB2_3:
0x4e: {  	p0 =	sne.s32 s29, $0x1540;
	s28 =	sadd.s32 $0x10, s28;
	s26 =	sadd.s32 $0x10, s26  }
0x4f: {  	s30 =	smov.u32 s29;
	s29 =	sadd.s32 $0x10, s29;
	v4 =	vadd.f32 v4, v5;
	_ =	sdelay $0x1  }
0x50: {  	[tilespmem:v3+s16+$0x0] =	vst.idx.msk vm0, v4  }
0x51: {  	v3 =	vld [tilespmem:s26+$0x0]  }
0x52: {  	v4 =	vld [tilespmem:s26+$0xFFFFEAB0];
	_ =	sdelay $0x1  }
0x53: {  	v6 =	vor.u32 s30, v0;
	v5 =	vld [tilespmem:s26+$0x1550]  }
0x54: {  	v7 =	vmulhi.u32 $0x38D22D37, v6;
	v8 =	vmul.u32 $0x75EB3A0B, v6  }
0x55: {  	v9 =	vmov s30  }
0x56: {  	vm0 =	veq.s32 v9, v0;
	v10 =	vsub.s32 v6, v7;
	vm1 =	vgt.u32 v8, $0x342307  }
0x57: {  	v9 =	vshrl.u32 v10, $0x1;
	vm0 =	vmand vm0, vm1;
	v8 =	vld [tilespmem:s28+$0x0]  }
0x58: {  	v7 =	vadd.s32 v7, v9;
	v10 =	vld.idx.msk [tilespmem:v3+s12+$0x0], $0xffff  }
0x59: {  	v11 =	vsel vm0, $0xFFFFFFFF, v2;
	v7 =	vshrl.u32 v7, $0x8;
	v9 =	vld.idx.msk [tilespmem:v4+s12+$0x0], $0xffff  }
0x5a: {  	v7 =	vadd.s32 v11, v7;
	v12 =	vld [tilespmem:s28+$0xFFFFEAB0]  }
0x5b: {  	v11 =	vmul.u32 $0x3, v6;
	v14 =	vmul.u32 $0xFFFFFB17, v7;
	v13 =	vld.idx.msk [tilespmem:v5+s12+$0x0], $0xffff  }
0x5c: {  	vm0 =	vlt.u32 v6, $0x1547;
	v15 =	vld [tilespmem:s28+$0x1550]  }
0x5d: {  	v7 =	vmul.u32 $0x4F0, v7;
	v6 =	vadd.s32 v11, v14;
	v14 =	vadd.s32 $0x1, v11  }
0x5e: {  	v16 =	vand.u32 $0xFFFFFFF8, v6;
	v6 =	vand.u32 $0x7, v6;
	v17 =	vmulhi.u32 $0xD08C1E25, v14  }
0x5f: {  	v7 =	vadd.s32 v7, v16;
	v10 =	vmul.f32 v10, v8;
	v9 =	vmul.f32 v9, v12  }
0x60: {  	v6 =	vor.u32 v6, v7;
	v7 =	vadd.s32 $0x1, v4;
	v16 =	vshrl.u32 v17, $0xA  }
0x61: {  	v9 =	vadd.f32 v10, v9;
	v10 =	vmul.f32 v13, v15;
	v13 =	vmul.u32 $0xFFFFFB17, v16  }
0x62: {  	v11 =	vadd.s32 $0x2, v11;
	v17 =	vadd.s32 $0x1, v3  }
0x63: {  	v9 =	vadd.f32 v10, v9;
	v10 =	vadd.s32 v14, v13;
	v13 =	vmul.u32 $0x4F0, v16  }
0x64: {  	v14 =	vadd.s32 $0x1, v5;
	v16 =	vand.u32 $0xFFFFFFF8, v10;
	v10 =	vand.u32 $0x7, v10  }
0x65: {  	[tilespmem:v6+s16+$0x0] =	vst.idx.msk vm0, v9;
	v6 =	vadd.s32 v13, v16;
	v9 =	vmulhi.u32 $0xD08C1E25, v11  }
0x66: {  	v7 =	vld.idx.msk [tilespmem:v7+s12+$0x0], $0xffff;
	v6 =	vor.u32 v10, v6  }
0x67: {  	v10 =	vld.idx.msk [tilespmem:v17+s12+$0x0], $0xffff;
	v9 =	vshrl.u32 v9, $0xA  }
0x68: {  	v13 =	vmul.u32 $0xFFFFFB17, v9  }
0x69: {  	v14 =	vld.idx.msk [tilespmem:v14+s12+$0x0], $0xffff  }
0x6a: {  	v9 =	vmul.u32 $0x4F0, v9;
	v11 =	vadd.s32 v11, v13  }
0x6b: {  	v13 =	vand.u32 $0xFFFFFFF8, v11  }
0x6c: {  	v9 =	vadd.s32 v9, v13  }
0x6d: {  	v7 =	vmul.f32 v7, v12;
	v10 =	vmul.f32 v10, v8;
	_ =	sdelay $0x1  }
0x6e: {  	v4 =	vadd.s32 $0x2, v4;
	v7 =	vadd.f32 v10, v7;
	v10 =	vmul.f32 v14, v15  }
0x6f: {  	v3 =	vadd.s32 $0x2, v3  }
0x70: {  	v5 =	vadd.s32 $0x2, v5;
	v7 =	vadd.f32 v10, v7;
	_ =	sdelay $0x1  }
0x71: {  	[tilespmem:v6+s16+$0x0] =	vst.idx.msk vm0, v7  }
0x72: {  	v4 =	vld.idx.msk [tilespmem:v4+s12+$0x0], $0xffff  }
0x73: {  	v3 =	vld.idx.msk [tilespmem:v3+s12+$0x0], $0xffff  }
0x74: {  	v5 =	vld.idx.msk [tilespmem:v5+s12+$0x0], $0xffff;
	_ =	sdelay $0x2  }
.Ltmp0:
0x75: {  	(pc) =	sbr.rel @p0 .LBB2_3-.Ltmp0, $4  }
0x76: {  	v6 =	vmul.f32 v4, v12;
	v4 =	vand.u32 $0x7, v11  }
0x77: {  	v7 =	vmul.f32 v3, v8;
	v3 =	vor.u32 v4, v9  }
0x78: {  	v4 =	vmul.f32 v5, v15  }
0x79: {  	v5 =	vadd.f32 v7, v6  }
0x7a: {  	_ =	sdelay $0x2  }
0x7b: {  	v4 =	vadd.f32 v4, v5  }
0x7c: {  	s25 =	sor.u32 $0x1, s25;
	p0 =	seq.s32 s24, $0x1F  }
0x7d: {  	s26 =	smul.u32 @!p0 $0x50C0, s25;
	[tilespmem:v3+s16+$0x0] =	vst.idx.msk vm0, v4  }
0x7e: {  	[hbm4b:s4+s17] =	stream.indirect.scatter [tilespmem:s16], [sflag:$0x3], $0x4F0, s15, s17, $0xb8;
	[tilespmem:$0x1A1E0] =	vst v63  }
0x7f: {  	p1 =	seq.s32 @!p0 s24, $0x0;
	s26 =	sshrl.u32 @!p0 s26, $0x3;
	_ =	swait.ge [sflag:s18], $0x50C0  }
0x80: {  	s28 =	simm.s32 @!p0 $0x0;
	s26 =	sadd.s32 @!p0 s3, s26;
	[sflag:s18] =	ssyncset.done $0x0  }
0x81: {  	s29 =	simm.s32 @!p0 $0x7FE0;
	s26 =	sadd.s32 @!p0 $0xA18, s26;
	[sflag:s18] =	ssyncadd.s32 $0xFFFFAF40  }
0x82: {  	[tilespmem:s29], [sflag:$0x1] =	stream.linear.gather @!p0 [hbm4b:s26+s28], $0x50C0, $0x38;
	[tilespmem:$0x1A1E0] =	vst v63  }
0x83: {  	p0 =	por p0, !p1  }
0x84: {  	s25 =	smul.u32 $0x19, s25;
	_ =	swait.ge @p0 [sflag:s22], $0x4030  }
0x85: {  	[sflag:s22] =	ssyncset.done @p0 $0x0  }
0x86: {  	v3 =	vadd.s32 s25, v1;
	[sflag:s22] =	ssyncadd.s32 @p0 $0xFFFFBFD0  }
0x87: {  	s25 =	simm.s32 $0x1550;
	[tilespmem:v0+s19+$0x0] =	vst.idx.msk $0x1fff, v3  }
0x88: {  	v3 =	vld [tilespmem:s25+$0x0]  }
0x89: {  	s28 =	simm.s32 $0x0;
	v4 =	vld [tilespmem:s25+$0xFFFFEAB0]  }
0x8a: {  	v6 =	vor.u32 s28, v0  }
0x8b: {  	v7 =	vmulhi.u32 $0x38D22D37, v6;
	v5 =	vld [tilespmem:s25+$0x1550]  }
0x8c: {  	v8 =	vmul.u32 $0x75EB3A0B, v6  }
0x8d: {  	s26 =	simm.s32 $0x5540;
	v9 =	vmov s28;
	v10 =	vsub.s32 v6, v7  }
0x8e: {  	vm0 =	veq.s32 v9, v0;
	vm1 =	vgt.u32 v8, $0x342307;
	v51 =	vld [tilespmem:s26+$0x0];
	v52 =	vshrl.u32 v10, $0x1  }
0x8f: {  	vm0 =	vmand vm0, vm1;
	v12 =	vld [tilespmem:s26+$0xFFFFEAB0];
	v7 =	vadd.s32 v7, v52  }
0x90: {  	v11 =	vsel vm0, $0xFFFFFFFF, v2;
	v7 =	vshrl.u32 v7, $0x8;
	v53 =	vld.idx.msk [tilespmem:v3+s14+$0x0], $0xffff  }
0x91: {  	v7 =	vadd.s32 v11, v7;
	v54 =	vld.idx.msk [tilespmem:v4+s14+$0x0], $0xffff  }
0x92: {  	v55 =	vmul.u32 $0x3, v6;
	v15 =	vld [tilespmem:s26+$0x1550];
	v14 =	vmul.u32 $0xFFFFFB17, v7  }
0x93: {  	v13 =	vld.idx.msk [tilespmem:v5+s14+$0x0], $0xffff  }
0x94: {  	v7 =	vmul.u32 $0x4F0, v7;
	v14 =	vadd.s32 v55, v14  }
0x95: {  	vm0 =	vlt.u32 v6, $0x1547;
	v6 =	vand.u32 $0xFFFFFFF8, v14;
	v14 =	vand.u32 $0x7, v14  }
0x96: {  	v6 =	vadd.s32 v7, v6;
	v9 =	vmul.f32 v54, v12;
	v10 =	vmul.f32 v53, v51  }
0x97: {  	v6 =	vor.u32 v14, v6  }
0x98: {  	v7 =	vadd.s32 $0x1, v4;
	v56 =	vmul.f32 v13, v15;
	v9 =	vadd.f32 v10, v9  }
0x99: {  	v57 =	vadd.s32 $0x1, v3  }
0x9a: {  	v9 =	vadd.f32 v56, v9  }
0x9b: {  	v58 =	vadd.s32 $0x1, v55;
	v59 =	vadd.s32 $0x1, v5  }
0x9c: {  	v16 =	vmulhi.u32 $0xD08C1E25, v58;
	[tilespmem:v6+s20+$0x0] =	vst.idx.msk vm0, v9  }
0x9d: {  	v6 =	vld.idx.msk [tilespmem:v7+s14+$0x0], $0xffff  }
0x9e: {  	v7 =	vshrl.u32 v16, $0xA;
	v9 =	vld.idx.msk [tilespmem:v57+s14+$0x0], $0xffff  }
0x9f: {  	v60 =	vmul.u32 $0xFFFFFB17, v7  }
0xa0: {  	v14 =	vld.idx.msk [tilespmem:v59+s14+$0x0], $0xffff  }
0xa1: {  	v7 =	vmul.u32 $0x4F0, v7;
	v10 =	vadd.s32 v58, v60  }
0xa2: {  	v13 =	vand.u32 $0xFFFFFFF8, v10;
	v10 =	vand.u32 $0x7, v10  }
0xa3: {  	v7 =	vadd.s32 v7, v13;
	v6 =	vmul.f32 v6, v12;
	v9 =	vmul.f32 v9, v51  }
0xa4: {  	v7 =	vor.u32 v10, v7  }
0xa5: {  	v4 =	vadd.s32 $0x2, v4;
	v61 =	vmul.f32 v14, v15;
	v6 =	vadd.f32 v9, v6  }
0xa6: {  	v3 =	vadd.s32 $0x2, v3  }
0xa7: {  	v6 =	vadd.f32 v61, v6  }
0xa8: {  	v62 =	vadd.s32 $0x2, v55;
	v5 =	vadd.s32 $0x2, v5  }
0xa9: {  	[tilespmem:v7+s20+$0x0] =	vst.idx.msk vm0, v6;
	v6 =	vmulhi.u32 $0xD08C1E25, v62  }
0xaa: {  	v4 =	vld.idx.msk [tilespmem:v4+s14+$0x0], $0xffff  }
0xab: {  	v3 =	vld.idx.msk [tilespmem:v3+s14+$0x0], $0xffff;
	v6 =	vshrl.u32 v6, $0xA  }
0xac: {  	v7 =	vmul.u32 $0xFFFFFB17, v6  }
0xad: {  	v5 =	vld.idx.msk [tilespmem:v5+s14+$0x0], $0xffff  }
0xae: {  	v6 =	vmul.u32 $0x4F0, v6;
	v7 =	vadd.s32 v62, v7  }
0xaf: {  	v9 =	vand.u32 $0xFFFFFFF8, v7;
	v63 =	vmul.f32 v4, v12  }
0xb0: {  	v8 =	vmul.f32 v3, v51;
	v4 =	vand.u32 $0x7, v7;
	v3 =	vadd.s32 v6, v9  }
0xb1: {  	v3 =	vor.u32 v4, v3  }
0xb2: {  	s28 =	simm.s32 $0x10;
	v4 =	vmul.f32 v5, v15;
	v5 =	vadd.f32 v8, v63  }
.LBB2_5:
0xb3: {  	p0 =	sne.s32 s28, $0x1540;
	s26 =	sadd.s32 $0x10, s26;
	s25 =	sadd.s32 $0x10, s25  }
0xb4: {  	s29 =	smov.u32 s28;
	s28 =	sadd.s32 $0x10, s28;
	v4 =	vadd.f32 v4, v5;
	_ =	sdelay $0x1  }
0xb5: {  	[tilespmem:v3+s20+$0x0] =	vst.idx.msk vm0, v4  }
0xb6: {  	v3 =	vld [tilespmem:s25+$0x0]  }
0xb7: {  	v4 =	vld [tilespmem:s25+$0xFFFFEAB0];
	_ =	sdelay $0x1  }
0xb8: {  	v6 =	vor.u32 s29, v0;
	v5 =	vld [tilespmem:s25+$0x1550]  }
0xb9: {  	v7 =	vmulhi.u32 $0x38D22D37, v6;
	v8 =	vmul.u32 $0x75EB3A0B, v6  }
0xba: {  	v9 =	vmov s29  }
0xbb: {  	vm0 =	veq.s32 v9, v0;
	v10 =	vsub.s32 v6, v7;
	vm1 =	vgt.u32 v8, $0x342307  }
0xbc: {  	v9 =	vshrl.u32 v10, $0x1;
	vm0 =	vmand vm0, vm1;
	v8 =	vld [tilespmem:s26+$0x0]  }
0xbd: {  	v7 =	vadd.s32 v7, v9;
	v10 =	vld.idx.msk [tilespmem:v3+s14+$0x0], $0xffff  }
0xbe: {  	v11 =	vsel vm0, $0xFFFFFFFF, v2;
	v7 =	vshrl.u32 v7, $0x8;
	v9 =	vld.idx.msk [tilespmem:v4+s14+$0x0], $0xffff  }
0xbf: {  	v7 =	vadd.s32 v11, v7;
	v12 =	vld [tilespmem:s26+$0xFFFFEAB0]  }
0xc0: {  	v11 =	vmul.u32 $0x3, v6;
	v14 =	vmul.u32 $0xFFFFFB17, v7;
	v13 =	vld.idx.msk [tilespmem:v5+s14+$0x0], $0xffff  }
0xc1: {  	vm0 =	vlt.u32 v6, $0x1547;
	v15 =	vld [tilespmem:s26+$0x1550]  }
0xc2: {  	v7 =	vmul.u32 $0x4F0, v7;
	v6 =	vadd.s32 v11, v14;
	v14 =	vadd.s32 $0x1, v11  }
0xc3: {  	v16 =	vand.u32 $0xFFFFFFF8, v6;
	v6 =	vand.u32 $0x7, v6;
	v17 =	vmulhi.u32 $0xD08C1E25, v14  }
0xc4: {  	v7 =	vadd.s32 v7, v16;
	v10 =	vmul.f32 v10, v8;
	v9 =	vmul.f32 v9, v12  }
0xc5: {  	v6 =	vor.u32 v6, v7;
	v7 =	vadd.s32 $0x1, v4;
	v16 =	vshrl.u32 v17, $0xA  }
0xc6: {  	v9 =	vadd.f32 v10, v9;
	v10 =	vmul.f32 v13, v15;
	v13 =	vmul.u32 $0xFFFFFB17, v16  }
0xc7: {  	v11 =	vadd.s32 $0x2, v11;
	v17 =	vadd.s32 $0x1, v3  }
0xc8: {  	v9 =	vadd.f32 v10, v9;
	v10 =	vadd.s32 v14, v13;
	v13 =	vmul.u32 $0x4F0, v16  }
0xc9: {  	v14 =	vadd.s32 $0x1, v5;
	v16 =	vand.u32 $0xFFFFFFF8, v10;
	v10 =	vand.u32 $0x7, v10  }
0xca: {  	[tilespmem:v6+s20+$0x0] =	vst.idx.msk vm0, v9;
	v6 =	vadd.s32 v13, v16;
	v9 =	vmulhi.u32 $0xD08C1E25, v11  }
0xcb: {  	v7 =	vld.idx.msk [tilespmem:v7+s14+$0x0], $0xffff;
	v6 =	vor.u32 v10, v6  }
0xcc: {  	v10 =	vld.idx.msk [tilespmem:v17+s14+$0x0], $0xffff;
	v9 =	vshrl.u32 v9, $0xA  }
0xcd: {  	v13 =	vmul.u32 $0xFFFFFB17, v9  }
0xce: {  	v14 =	vld.idx.msk [tilespmem:v14+s14+$0x0], $0xffff  }
0xcf: {  	v9 =	vmul.u32 $0x4F0, v9;
	v11 =	vadd.s32 v11, v13  }
0xd0: {  	v13 =	vand.u32 $0xFFFFFFF8, v11  }
0xd1: {  	v9 =	vadd.s32 v9, v13  }
0xd2: {  	v7 =	vmul.f32 v7, v12;
	v10 =	vmul.f32 v10, v8;
	_ =	sdelay $0x1  }
0xd3: {  	v4 =	vadd.s32 $0x2, v4;
	v7 =	vadd.f32 v10, v7;
	v10 =	vmul.f32 v14, v15  }
0xd4: {  	v3 =	vadd.s32 $0x2, v3  }
0xd5: {  	v5 =	vadd.s32 $0x2, v5;
	v7 =	vadd.f32 v10, v7;
	_ =	sdelay $0x1  }
0xd6: {  	[tilespmem:v6+s20+$0x0] =	vst.idx.msk vm0, v7  }
0xd7: {  	v4 =	vld.idx.msk [tilespmem:v4+s14+$0x0], $0xffff  }
0xd8: {  	v3 =	vld.idx.msk [tilespmem:v3+s14+$0x0], $0xffff  }
0xd9: {  	v5 =	vld.idx.msk [tilespmem:v5+s14+$0x0], $0xffff;
	_ =	sdelay $0x2  }
.Ltmp1:
0xda: {  	(pc) =	sbr.rel @p0 .LBB2_5-.Ltmp1, $4  }
0xdb: {  	v6 =	vmul.f32 v4, v12;
	v4 =	vand.u32 $0x7, v11  }
0xdc: {  	v7 =	vmul.f32 v3, v8;
	v3 =	vor.u32 v4, v9  }
0xdd: {  	v4 =	vmul.f32 v5, v15  }
0xde: {  	v5 =	vadd.f32 v7, v6  }
0xdf: {  	s24 =	sadd.s32 $0x1, s24  }
0xe0: {  	p0 =	sne.s32 s24, $0x20  }
.Ltmp2:
0xe1: {  	_ = 	snop;
	(pc) =	sbr.rel @p0 .LBB2_2-.Ltmp2, $3  }
0xe2: {  	v4 =	vadd.f32 v4, v5;
	_ =	sdelay $0x1  }
0xe3: {  	[tilespmem:v3+s20+$0x0] =	vst.idx.msk vm0, v4  }
0xe4: {  	[hbm4b:s4+s17] =	stream.indirect.scatter [tilespmem:s20], [sflag:$0x4], $0x4F0, s19, s17, $0xb8;
	[tilespmem:$0x1A1E0] =	vst v63  }
0xe5: {  	s23 =	sadd.s32 $0x1, s23  }
0xe6: {  	_ =	swait.ge [sflag:s21], $0x4030;
	p0 =	sne.s32 s23, s9  }
.Ltmp3:
0xe7: {  	[sflag:s21] =	ssyncset.done $0x0;
	(pc) =	sbr.rel @p0 .LBB2_1-.Ltmp3, $4  }
0xe8: {  	[sflag:s21] =	ssyncadd.s32 $0xFFFFBFD0  }
0xe9: {  	_ =	swait.ge [sflag:s22], $0x4030  }
0xea: {  	[sflag:s22] =	ssyncset.done $0x0  }
0xeb: {  	[sflag:s22] =	ssyncadd.s32 $0xFFFFBFD0  }
0xec: {  	_ =	sfence.sel $0x180000  }
0xed: {  	[bflag:$0x0] =	sbarrier.arrive $0xFFFF  }
0xee: {  	p0 =	sne.s32 s2, $0x0;
	_ =	strace $0x9000004A  }
0xef: {  	s0 =	sadd.s32 @!p0 $0x100000, s0;
	[bflag:$0x2] =	sbarrier.arrive $0xFFFF  }
0xf0: {  	[sflag:s0] =	ssyncadd.tile.s32 @!p0 $0x1;
	_ =	shalt  }
.Lfunc_end2:
_tile_overlayer_lowered:
.L_overlay_start_2:
0xf1: {  	(tag) =	ssettag $0x2  }
0xf2: {  	s0 =	rddreg [dreg:$0x0];
	s2 =	stileid.u32  }
0xf3: {  	s1 =	rddreg [dreg:$0x1];
	p0 =	sne.s32 s2, $0x0  }
0xf4: {  	s3 =	rddreg [dreg:$0x2];
	[bflag:$0x3] =	sbarrier.arrive $0xFFFF;
	s2 =	simm.s32 @!p0 $0x1C05  }
0xf5: {  	[timem:s3], [sflag:s2] =	dma.local @!p0 [hbm:s0], s1  }
0xf6: {  	s0 =	simm.s32 @!p0 $0x5  }
0xf7: {  	_ =	swait.ge @!p0 [sflag:s0], s1  }
0xf8: {  	s1 =	ssub.s32 @!p0 $0x0, s1;
	[sflag:s0] =	ssyncset.done @!p0 $0x0  }
0xf9: {  	[sflag:s0] =	ssyncadd.s32 @!p0 s1  }
0xfa: {  	[bflag:$0x3] =	sbarrier.arrive $0xFFFF  }
0xfb: {  	_ =	shalt  }

// kernel: sparse-core-data-format-call.1.cloned.1.call-start
scs
called_computation.1_lowered:
.L_overlay_start_0:
0x0: {  	s1 =	sld [smem:$0x3FD9]  }
0x1: {  	s2 =	sld [smem:$0x3FFE];
	_ =	sdelay $0x1  }
0x2: {  	s3 =	srdreg.scid  }
0x3: {  	s0 =	sand.u32 $0x1, s3  }
0x4: {  	s17 =	sshll.u32 s0, $0xA;
	s1 =	sadd.s32 s2, s1  }
0x5: {  	s1 =	sadd.s32 s1, s17  }
0x6: {  	[smem:$0x3FC5] =	sst s1  }
0x7: {  	_ = 	snop  }
0x8: {  	(tm) =	ssettm $0x1  }
0x9: {  	s18 =	sld [smem:$0x3FFB];
	_ =	sdelay $0x3  }
0xa: {  	_ =	strace s18  }
0xb: {  	s1 =	sld [smem:$0x3FFC];
	_ =	sdelay $0x3  }
0xc: {  	_ =	strace s1  }
0xd: {  	s1 =	sld [smem:$0x3FFD];
	_ =	sdelay $0x3  }
0xe: {  	_ =	strace s1  }
0xf: {  	_ =	strace $0x8FFFFFFF  }
0x10: {  	s19 =	sld [smem:$0x3FDB];
	_ =	sdelay $0x1  }
0x11: {  	s20 =	simm.s32 $_scs_section_size  }
0x12: {  	s4 =	simm.s32 $_size__tile_overlayer_lowered;
	s5 =	simm.s32 $_tile_overlayer_lowered  }
0x13: {  	s23 =	simm.s32 $0x1BFF;
	s22 =	sshll.u32 s5, $0x1;
	s1 =	sadd.s32 s20, s19  }
0x14: {  	s6 =	simm.s32 $0x0;
	s21 =	sshll.u32 s4, $0x1;
	s4 =	sadd.s32 s22, s1  }
0x15: {  	[timem:s6], [sflag:s23] =	dma.local [hbm:s4], s21  }
0x16: {  	_ =	swait.ge [sflag:s23], s21  }
0x17: {  	s2 =	ssub.s32 $0x0, s21;
	[sflag:s23] =	ssyncset.done $0x0  }
0x18: {  	[sflag:s23] =	ssyncadd.s32 s2;
	_ =	sdelay $0x1  }
0x19: {  	s24 =	simm.s32 $0x1B8B  }
0x1a: {  	_ =	swait.ge [sflag:s24], $0x1  }
0x1b: {  	[sflag:s24] =	ssyncset.done $0x0  }
0x1c: {  	s26 =	simm.s32 $0x1B8E;
	s25 =	sld [smem:$0x3FFE];
	[sflag:s24] =	ssyncadd.s32 $0xFFFFFFFF  }
0x1d: {  	s27 =	simm.s32 $execute0_lowered;
	[smem:$0x3FD2] =	sst s26  }
0x1e: {  	s4 =	sshll.u32 s27, $0x1;
	_ =	strace $0x8000004C;
	[dreg:$0x1] =	wrdreg $0xFFFFFFFF  }
0x1f: {  	s28 =	simm.s32 $_size_execute0_lowered;
	s1 =	sadd.s32 s1, s4;
	[dreg:$0x0] =	wrdreg $0x0  }
0x20: {  	s4 =	sshll.u32 s28, $0x1;
	[dreg:$0x2] =	wrdreg s1  }
0x21: {  	[dreg:$0x3] =	wrdreg s4  }
0x22: {  	[dreg:$0x4] =	wrdreg $0xC0  }
0x23: {  	_ =	task [dreg:s6], $0x5FFFF  }
0x24: {  	[dreg:$0x1] =	wrdreg $0xFFFFFFFF  }
0x25: {  	[dreg:$0x0] =	wrdreg $0x60  }
0x26: {  	[dreg:$0x2] =	wrdreg s25  }
0x27: {  	[dreg:$0x3] =	wrdreg $0x9  }
0x28: {  	_ =	task.clear_ibuf [dreg:s6], $0x4FFFF;
	_ =	strace $0x9000004C  }
0x29: {  	s29 =	simm.s32 $0x9;
	_ =	strace $0x8000004E  }
0x2a: {  	_ =	swait.ge [sflag:s29], $0x1  }
0x2b: {  	[sflag:s29] =	ssyncadd.s32 $0xFFFFFFFF  }
0x2c: {  	_ =	strace $0x9000004E  }
0x2d: {  	_ =	sfence  }
0x2e: {  	s30 =	sld [smem:$0x0];
	_ =	sdelay $0x2  }
0x2f: {  	s31 =	sshll.u32 s3, $0xD;
	s3 =	sshrl.u32 s3, $0x2  }
0x30: {  	s2 =	sand.u32 $0x4000, s31;
	s1 =	sadd.s32 s3, s30  }
0x31: {  	s0 =	sor.u32 s2, s0;
	s1 =	sshll.u32 s1, $0x11  }
0x32: {  	s0 =	sor.u32 s1, s0  }
0x33: {  	s0 =	sadd.s32 $0x8F2B, s0  }
0x34: {  	[sflag:s0] =	ssyncadd.remote.s32 $0x1  }
0x35: {  	_ =	sfence.sel $0xFFFF  }
0x36: {  	[dreg:$0x0] =	wrdreg $0xFFFFFFFF;
	(pc) =	sbr.abs _section_cstart, $3  }
0x37: {  	[dreg:$0x1] =	wrdreg $0xFFFFFFFF  }
0x38: {  	_ =	task.clear_ibuf [dreg:s6], $0x2FFFF;
	_ =	strace $0x9FFFFFFF  }
0x39: {  	(tm) =	ssettm $0x7FFFFFFF  }
tec
execute0_lowered:
.L_overlay_start_1:
0x0: {  	(tag) =	ssettag $0x1  }
0x1: {  	s0 =	stileid.u32  }
0x2: {  	s1 =	srdreg.scid;
	s7 =	rddreg [dreg:$0x0]  }
0x3: {  	s8 =	simm.s32 $0x2;
	s17 =	simm.s32 $0x0;
	s2 =	sshll.u32 s0, $0x7  }
0x4: {  	s9 =	simm.s32 $0x2000;
	s3 =	sshll.u32 s1, $0x4;
	s1 =	sand.u32 $0x380, s2  }
0x5: {  	s19 =	simm.s32 $0x0;
	s30 =	sand.u32 $0x10, s3;
	s4 =	ssub.s32 $0x400, s1  }
0x6: {  	s18 =	simm.s32 $0x0;
	s2 =	sor.u32 s0, s30;
	s5 =	sand.u32 $0x380, s4  }
0x7: {  	s3 =	sshrl.u32 s2, $0x3;
	s2 =	simm.s32 $0x1;
	p0 =	sne.s32 s5, $0x0  }
0x8: {  	s4 =	sshrl.u32 s4, $0xA;
	s31 =	ssub.s32 $0x1C, s3;
	s2 =	simm.s32 @!p0 $0x0  }
0x9: {  	s10 =	simm.s32 $0x0;
	s5 =	sshrl.u32 s31, $0x2;
	s4 =	sadd.s32 s2, s4  }
0xa: {  	s11 =	simm.s32 $0x0;
	s12 =	simm.s32 $0x0;
	s6 =	smul.u32 s4, s5  }
.Ltmp0:
0xb: {  	s13 =	simm.s32 $0x0;
	s16 =	simm.s32 $0x0;
	(pc) =	sbr.rel .LBB1_1-.Ltmp0, $4  }
0xc: {  	s15 =	smov.u32 s1;
	s14 =	smov.u32 s3;
	s2 =	rddreg [dreg:$0x1]  }
0xd: {  	_ =	strace $0x8000004D;
	s5 =	simm.s32 $0x1;
	s6 =	smul.u32 $0xA, s6  }
0xe: {  	p0 =	por $0x0, $0x0;
	s4 =	sadd.s32 $0x1A00, s7;
	[sflag:s5] =	ssyncpa.u1 $0x0  }
0xf: {  	s7 =	sadd.s32 $0x501A00, s7;
	[sflag:s8] =	ssyncpa.u1 $0x0;
	s8 =	sor.u32 $0x1, s6  }
.LBB1_4:
0x10: {  	s25 =	sshll.u32 s10, $0xA  }
0x11: {  	s26 =	sshll.u32 s12, $0x3;
	s24 =	sshra.s32 s24, $0x2;
	p1 =	sgt.s32 s11, $0x18  }
0x12: {  	s30 =	sshra.s32 s11, $0x1F;
	s27 =	smov.u32 s10;
	s31 =	sshra.s32 s10, $0x1F  }
0x13: {  	s25 =	sand.u32 $0xFFFFE000, s25;
	s26 =	sand.u32 $0xFFFFFC00, s26;
	s23 =	sadd.s32 s24, s23  }
0x14: {  	s29 =	sadd.s32 s26, s25;
	s25 =	smov.u32 s11;
	s26 =	sand.u32 s30, s11  }
0x15: {  	s24 =	sshrl.u32 s29, $0xA;
	s25 =	simm.s32 @!p1 $0x18;
	p1 =	sgt.s32 s10, $0x470  }
0x16: {  	s29 =	sshra.s32 s12, $0x1F;
	s25 =	ssub.s32 s25, s26;
	s27 =	simm.s32 @!p1 $0x470  }
0x17: {  	v5 =	vld [tilespmem:s21+$0xFFFFFFD0];
	[tilespmem:s22+$0x2040 ss:$0x81] =	vst.msk $0xffff, v4;
	p1 =	sgt.s32 s12, $0x380;
	s26 =	smov.u32 s12;
	s29 =	sand.u32 s29, s12  }
0x18: {  	v58 =	vld [tilespmem:s21+$0xFFFFFFE0];
	s30 =	smulhi.u32 $0x67B23B, s24;
	s28 =	sadd.s32 $0xFFFFFFE8, s25;
	s26 =	simm.s32 @!p1 $0x380  }
0x19: {  	[tilespmem:s22+$0x2850 ss:$0x81] =	vst.msk $0xffff, v3;
	v59 =	vld [tilespmem:s21+$0xFFFFFFF0];
	s25 =	ssub.s32 $0x19, s25;
	p1 =	sgt.s32 s28, $0x0;
	s26 =	ssub.s32 s26, s29  }
0x1a: {  	[tilespmem:s22+$0x3060 ss:$0x81] =	vst.msk $0xffff, v2;
	v60 =	vld [tilespmem:s21+$0x0];
	s28 =	sand.u32 s31, s10;
	s30 =	sshrl.u32 s30, $0x1;
	s29 =	sand.u32 $0x78, s12  }
0x1b: {  	[tilespmem:s22+$0x0 ss:$0x81] =	vst.msk $0xffff, v1;
	v61 =	vld [tilespmem:s21+$0x10];
	s27 =	ssub.s32 s27, s28;
	s31 =	sadd.s32 $0xFFFFFC80, s26;
	s25 =	simm.s32 @p1 $0x0  }
0x1c: {  	v62 =	vld [tilespmem:s21+$0x20];
	[tilespmem:s23+$0x3870 ss:$0x81] =	vst.msk $0xffff, v0;
	s22 =	ssub.s32 $0x400, s26;
	s26 =	smul.u32 $0x4F0, s30;
	s30 =	sshll.u32 s10, $0x7  }
0x1d: {  	v63 =	vld [tilespmem:s21+$0xFFFFFFC0];
	[tilespmem:s23+$0x810 ss:$0x81] =	vst.msk $0xffff, v5;
	p1 =	sgt.s32 s31, $0x7F;
	s31 =	sadd.s32 $0xFFFFFB90, s27;
	s21 =	sand.u32 $0x380, s30  }
0x1e: {  	[tilespmem:s23+$0x1020 ss:$0x81] =	vst.msk $0xffff, v58;
	s22 =	simm.s32 @p1 $0x0;
	p1 =	sgt.s32 s31, $0x7F;
	s31 =	smul.u32 $0x27800, s11  }
0x1f: {  	[tilespmem:s23+$0x1830 ss:$0x81] =	vst.msk $0xffff, v59;
	s27 =	ssub.s32 $0x4F0, s27;
	s21 =	sor.u32 s29, s21;
	s22 =	smul.u32 s22, s25  }
0x20: {  	[tilespmem:s23+$0x2040 ss:$0x81] =	vst.msk $0xffff, v60;
	s24 =	ssub.s32 s24, s26;
	s29 =	sand.u32 $0x7, s12;
	s27 =	simm.s32 @p1 $0x0  }
0x21: {  	[tilespmem:s23+$0x2850 ss:$0x81] =	vst.msk $0xffff, v61;
	s21 =	sshrl.u32 s21, $0x3;
	s25 =	sadd.s32 s7, s31;
	s22 =	smul.u32 s27, s22  }
0x22: {  	[tilespmem:s23+$0x3060 ss:$0x81] =	vst.msk $0xffff, v62;
	s24 =	sshll.u32 s24, $0x7;
	s30 =	sshll.u32 s29, $0x12;
	s21 =	sadd.s32 s21, s25  }
0x23: {  	[tilespmem:s23+$0x0 ss:$0x81] =	vst.msk $0xffff, v63;
	s31 =	sor.u32 $0x400, s30;
	s21 =	sadd.s32 s24, s21;
	s22 =	sand.u32 $0x3FFFFFFF, s22  }
0x24: {  	[hbm4b:s21+s31] =	stream.strided.scatter [tilespmem:s20], [sflag:$0x2], s22, s9, s31, $0x20;
	[tilespmem:$0x10100] =	vst v63  }
.LBB1_5:
0x25: {  	p1 =	slt.u32 s16, $0x2  }
0x26: {  	p2 =	sgt.s32 @!p1 s19, $0x18  }
0x27: {  	s20 =	smov.u32 s19;
	s21 =	sshra.s32 @!p1 s19, $0x1F;
	p2 =	por !p2, p1  }
0x28: {  	s19 =	sand.u32 @!p1 s21, s19;
	s20 =	simm.s32 @p2 $0x18  }
0x29: {  	p3 =	sgt.s32 @!p1 s18, $0x380;
	s19 =	ssub.s32 @!p1 s20, s19  }
0x2a: {  	p3 =	por !p3, p1;
	s21 =	sshra.s32 @!p1 s18, $0x1F;
	s20 =	sadd.s32 @!p1 $0xFFFFFFE8, s19  }
0x2b: {  	s19 =	ssub.s32 @!p1 $0x19, s19;
	p2 =	sgt.s32 @!p1 s20, $0x0;
	s20 =	smov.u32 s18  }
0x2c: {  	s18 =	sand.u32 @!p1 s21, s18;
	s20 =	simm.s32 @p3 $0x380;
	p3 =	sgt.s32 @!p1 s17, $0x470  }
0x2d: {  	s21 =	smov.u32 s17;
	p2 =	por !p2, p1;
	p3 =	por !p3, p1  }
0x2e: {  	s18 =	ssub.s32 @!p1 s20, s18;
	s20 =	sshra.s32 @!p1 s17, $0x1F;
	s19 =	simm.s32 @!p2 $0x0  }
0x2f: {  	s21 =	simm.s32 @p3 $0x470;
	s17 =	sand.u32 @!p1 s20, s17;
	s20 =	sadd.s32 @!p1 $0xFFFFFC80, s18  }
0x30: {  	s18 =	ssub.s32 @!p1 $0x400, s18;
	s17 =	ssub.s32 @!p1 s21, s17;
	p2 =	sgt.s32 @!p1 s20, $0x7F  }
0x31: {  	s21 =	smov.u32 s14;
	s20 =	sadd.s32 @!p1 $0xFFFFFB90, s17;
	p2 =	por !p2, p1  }
0x32: {  	s17 =	ssub.s32 @!p1 $0x4F0, s17;
	p3 =	sgt.s32 @!p1 s20, $0x7F;
	s18 =	simm.s32 @!p2 $0x0  }
0x33: {  	s20 =	sadd.s32 $0x80, s13;
	p2 =	por !p3, p1;
	s18 =	smul.u32 @!p1 s18, s19  }
0x34: {  	s19 =	sadd.s32 $0x4, s14;
	s17 =	simm.s32 @!p2 $0x0;
	p2 =	sgt.s32 s20, $0x4E8  }
0x35: {  	s22 =	smov.u32 s15;
	s21 =	smov.u32 @p2 s19  }
0x36: {  	s17 =	smul.u32 @!p1 s17, s18;
	s18 =	sadd.s32 $0x400, s15;
	p3 =	sgt.s32 s21, $0x18  }
0x37: {  	p0 =	por !p0, !p0;
	s23 =	simm.s32 @!p1 $0x2;
	s22 =	smov.u32 @p3 s18  }
0x38: {  	s20 =	simm.s32 @p2 $0x0;
	s19 =	smov.u32 s11;
	p2 =	sgt.s32 s22, $0x3FF  }
0x39: {  	s11 =	smov.u32 s14;
	s22 =	smov.u32 @p2 s1;
	p2 =	sne.s32 s16, s8  }
.Ltmp1:
0x3a: {  	s17 =	sand.u32 @!p1 $0x3FFFFFFF, s17;
	s21 =	smov.u32 @p3 s3;
	(pc) =	sbr.rel @!p2 .LBB1_6-.Ltmp1, $4  }
0x3b: {  	s18 =	smov.u32 s12;
	s12 =	smov.u32 s15;
	_ =	swait.ge @!p1 [sflag:s23], s17  }
0x3c: {  	s24 =	ssub.s32 @!p1 $0x0, s17;
	s17 =	smov.u32 s10;
	s10 =	smov.u32 s13  }
0x3d: {  	s13 =	smov.u32 s20;
	s14 =	smov.u32 s21;
	[sflag:s23] =	ssyncset.done @!p1 $0x0  }
0x3e: {  	s16 =	sadd.s32 $0x1, s16;
	[sflag:s23] =	ssyncadd.s32 @!p1 s24;
	s15 =	smov.u32 s22  }
.LBB1_1:
0x3f: {  	p1 =	sge.u32 s16, s6  }
0x40: {  	s20 =	sshrl.u32 @!p1 s14, $0x3  }
0x41: {  	s21 =	sshll.u32 @!p1 s13, $0x3;
	s20 =	smul.u32 @!p1 $0x2800, s20  }
0x42: {  	s22 =	sshll.u32 @!p1 s14, $0x7;
	s21 =	sand.u32 @!p1 $0xFFFFFC00, s21  }
0x43: {  	s20 =	sadd.s32 @!p1 s20, s21;
	s21 =	sand.u32 @!p1 $0x380, s22  }
0x44: {  	s22 =	sand.u32 @!p1 $0x7F, s13;
	s20 =	sor.u32 @!p1 s21, s20  }
0x45: {  	s21 =	sor.u32 @!p1 s22, s20  }
0x46: {  	s22 =	smulhi.u32 @!p1 $0xCCCCCCCD, s21  }
0x47: {  	s20 =	smulhi.u32 @!p1 $0xCCCCCCCD, s20  }
0x48: {  	s22 =	sshrl.u32 @!p1 s22, $0xA  }
0x49: {  	s31 =	sadd.s32 $0xFFFFFFFF, s16;
	s20 =	sshrl.u32 @!p1 s20, $0xA;
	s22 =	smul.u32 @!p1 $0x500, s22  }
0x4a: {  	s23 =	sxor.u32 @!p1 $0xFFFFFFFF, s16;
	s24 =	smul.u32 @!p1 $0x1400, s15;
	s20 =	sand.u32 @!p1 $0x1F, s20  }
0x4b: {  	s23 =	sshll.u32 @!p1 s23, $0xE;
	s20 =	smul.u32 @!p1 $0xA0, s20;
	s21 =	ssub.s32 @!p1 s21, s22  }
0x4c: {  	s22 =	sand.u32 @!p1 $0x4000, s23;
	s23 =	sadd.s32 @!p1 s4, s24;
	s24 =	sand.u32 @!p1 $0x7, s21  }
0x4d: {  	s21 =	sshrl.u32 @!p1 s21, $0x3;
	s20 =	sadd.s32 @!p1 s20, s23;
	s23 =	sshll.u32 @!p1 s24, $0x12  }
0x4e: {  	s20 =	sadd.s32 @!p1 s21, s20;
	s21 =	sor.u32 @!p1 $0x80, s23;
	s23 =	simm.s32 @!p1 $0xA000  }
0x4f: {  	[tilespmem:s22], [sflag:$0x1] =	stream.strided.gather @!p1 [hbm4b:s20+s21], $0x4000, s23, s21, $0x38;
	[tilespmem:$0x10100] =	vst v63  }
0x50: {  	p1 =	sge.u32 s31, s6  }
.Ltmp2:
0x51: {  	_ = 	snop;
	(pc) =	sbr.rel @p1 .LBB1_5-.Ltmp2, $1  }
0x52: {  	_ =	sdelay $0x3  }
0x53: {  	s20 =	simm.s32 $0x1  }
0x54: {  	_ =	swait.ge [sflag:s5], $0x4000;
	s20 =	simm.s32 @!p0 $0x0  }
0x55: {  	[sflag:s5] =	ssyncset.done $0x0;
	s21 =	sshll.u32 s20, $0xE  }
0x56: {  	[sflag:s5] =	ssyncadd.s32 $0xFFFFC000;
	s21 =	sor.u32 $0x40, s21  }
0x57: {  	s20 =	smul.u32 $0x10200, s20;
	v0 =	vld [tilespmem:s21+$0x30]  }
0x58: {  	v1 =	vld [tilespmem:s21+$0xFFFFFFD0]  }
0x59: {  	s20 =	sshrl.u32 s20, $0x2;
	v5 =	vld [tilespmem:s21+$0xFFFFFFE0]  }
0x5a: {  	v6 =	vld [tilespmem:s21+$0xFFFFFFF0];
	s23 =	sor.u32 $0x8000, s20  }
0x5b: {  	s31 =	sand.u32 $0x1, s16;
	v4 =	vld [tilespmem:s21+$0x0];
	s22 =	sadd.s32 $0x0, s23  }
0x5c: {  	v3 =	vld [tilespmem:s21+$0x10];
	s20 =	smul.u32 $0x10200, s31;
	[tilespmem:s22+$0x3870 ss:$0x81] =	vst.msk $0xffff, v0  }
0x5d: {  	v2 =	vld [tilespmem:s21+$0x20];
	[tilespmem:s22+$0x810 ss:$0x81] =	vst.msk $0xffff, v1  }
0x5e: {  	s20 =	sshrl.u32 s20, $0x2;
	v1 =	vld [tilespmem:s21+$0xFFFFFFC0];
	[tilespmem:s22+$0x1020 ss:$0x81] =	vst.msk $0xffff, v5;
	s21 =	sadd.s32 $0x80, s21  }
0x5f: {  	s24 =	simm.s32 $0x4;
	s25 =	simm.s32 $0x8;
	s20 =	sor.u32 $0x8000, s20;
	[tilespmem:s22+$0x1830 ss:$0x81] =	vst.msk $0xffff, v6;
	v0 =	vld [tilespmem:s21+$0x30]  }
.LBB1_3:
0x60: {  	p1 =	sne.s32 s25, $0x1FC;
	v5 =	vld [tilespmem:s21+$0xFFFFFFD0];
	[tilespmem:s22+$0x2040 ss:$0x81] =	vst.msk $0xffff, v4  }
0x61: {  	v6 =	vld [tilespmem:s21+$0xFFFFFFE0];
	[tilespmem:s22+$0x2850 ss:$0x81] =	vst.msk $0xffff, v3  }
0x62: {  	s26 =	sshra.s32 s24, $0x2;
	s24 =	smov.u32 s25;
	v7 =	vld [tilespmem:s21+$0xFFFFFFF0];
	[tilespmem:s22+$0x3060 ss:$0x81] =	vst.msk $0xffff, v2  }
.Ltmp3:
0x63: {  	v4 =	vld [tilespmem:s21+$0x0];
	[tilespmem:s22+$0x0 ss:$0x81] =	vst.msk $0xffff, v1;
	s22 =	sadd.s32 s26, s23;
	(pc) =	sbr.rel @p1 .LBB1_3-.Ltmp3, $4  }
0x64: {  	v3 =	vld [tilespmem:s21+$0x10];
	[tilespmem:s22+$0x3870 ss:$0x81] =	vst.msk $0xffff, v0  }
0x65: {  	[tilespmem:s22+$0x810 ss:$0x81] =	vst.msk $0xffff, v5;
	v2 =	vld [tilespmem:s21+$0x20]  }
0x66: {  	v1 =	vld [tilespmem:s21+$0xFFFFFFC0];
	[tilespmem:s22+$0x1020 ss:$0x81] =	vst.msk $0xffff, v6;
	s21 =	sadd.s32 $0x80, s21  }
0x67: {  	s25 =	sadd.s32 $0x4, s25;
	v0 =	vld [tilespmem:s21+$0x30];
	[tilespmem:s22+$0x1830 ss:$0x81] =	vst.msk $0xffff, v7  }
.Ltmp4:
0x68: {  	_ = 	snop;
	(pc) =	sbr.rel .LBB1_4-.Ltmp4, $1  }
0x69: {  	_ =	sdelay $0x3  }
.LBB1_6:
0x6a: {  	_ =	sfence.sel $0x180000  }
0x6b: {  	s1 =	simm.s32 $0x1;
	[bflag:$0x0] =	sbarrier.arrive $0xFFFF  }
0x6c: {  	s31 =	simm.s32 $0x2;
	[sflag:s1] =	ssyncpa.u1 $0x1  }
0x6d: {  	[sflag:s31] =	ssyncpa.u1 $0x1  }
0x6e: {  	p0 =	sne.s32 s0, $0x0;
	_ =	strace $0x9000004D  }
0x6f: {  	s0 =	sadd.s32 @!p0 $0x100000, s2;
	[bflag:$0x2] =	sbarrier.arrive $0xFFFF  }
0x70: {  	[sflag:s0] =	ssyncadd.tile.s32 @!p0 $0x1;
	_ =	shalt  }
.Lfunc_end1:
_tile_overlayer_lowered:
.L_overlay_start_2:
0x71: {  	(tag) =	ssettag $0x2  }
0x72: {  	s0 =	rddreg [dreg:$0x0];
	s2 =	stileid.u32  }
0x73: {  	s1 =	rddreg [dreg:$0x1];
	p0 =	sne.s32 s2, $0x0  }
0x74: {  	s3 =	rddreg [dreg:$0x2];
	[bflag:$0x3] =	sbarrier.arrive $0xFFFF;
	s2 =	simm.s32 @!p0 $0x1C01  }
0x75: {  	[timem:s3], [sflag:s2] =	dma.local @!p0 [hbm:s0], s1  }
0x76: {  	s0 =	simm.s32 @!p0 $0x1  }
0x77: {  	_ =	swait.ge @!p0 [sflag:s0], s1  }
0x78: {  	s1 =	ssub.s32 @!p0 $0x0, s1;
	[sflag:s0] =	ssyncset.done @!p0 $0x0  }
0x79: {  	[sflag:s0] =	ssyncadd.s32 @!p0 s1  }
0x7a: {  	[bflag:$0x3] =	sbarrier.arrive $0xFFFF  }
0x7b: {  	_ =	shalt  }

// kernel: sparse-core-data-format-call.2.cloned.1.call-start
scs
called_computation.2_lowered:
.L_overlay_start_0:
0x0: {  	s1 =	sld [smem:$0x3FD9]  }
0x1: {  	s2 =	sld [smem:$0x3FFE];
	_ =	sdelay $0x1  }
0x2: {  	s3 =	srdreg.scid  }
0x3: {  	s0 =	sand.u32 $0x1, s3  }
0x4: {  	s17 =	sshll.u32 s0, $0xA;
	s1 =	sadd.s32 s2, s1  }
0x5: {  	s1 =	sadd.s32 s1, s17  }
0x6: {  	[smem:$0x3FC5] =	sst s1  }
0x7: {  	_ = 	snop  }
0x8: {  	(tm) =	ssettm $0x1  }
0x9: {  	s18 =	sld [smem:$0x3FFB];
	_ =	sdelay $0x3  }
0xa: {  	_ =	strace s18  }
0xb: {  	s1 =	sld [smem:$0x3FFC];
	_ =	sdelay $0x3  }
0xc: {  	_ =	strace s1  }
0xd: {  	s1 =	sld [smem:$0x3FFD];
	_ =	sdelay $0x3  }
0xe: {  	_ =	strace s1  }
0xf: {  	_ =	strace $0x8FFFFFFF  }
0x10: {  	s19 =	sld [smem:$0x3FDB];
	_ =	sdelay $0x1  }
0x11: {  	s20 =	simm.s32 $_scs_section_size  }
0x12: {  	s4 =	simm.s32 $_size__tile_overlayer_lowered;
	s5 =	simm.s32 $_tile_overlayer_lowered  }
0x13: {  	s23 =	simm.s32 $0x1BFF;
	s22 =	sshll.u32 s5, $0x1;
	s1 =	sadd.s32 s20, s19  }
0x14: {  	s6 =	simm.s32 $0x0;
	s21 =	sshll.u32 s4, $0x1;
	s4 =	sadd.s32 s22, s1  }
0x15: {  	[timem:s6], [sflag:s23] =	dma.local [hbm:s4], s21  }
0x16: {  	_ =	swait.ge [sflag:s23], s21  }
0x17: {  	s2 =	ssub.s32 $0x0, s21;
	[sflag:s23] =	ssyncset.done $0x0  }
0x18: {  	[sflag:s23] =	ssyncadd.s32 s2;
	_ =	sdelay $0x1  }
0x19: {  	s24 =	simm.s32 $0x1B8B  }
0x1a: {  	_ =	swait.ge [sflag:s24], $0x1  }
0x1b: {  	[sflag:s24] =	ssyncset.done $0x0  }
0x1c: {  	s26 =	simm.s32 $0x1B8E;
	s25 =	sld [smem:$0x3FFE];
	[sflag:s24] =	ssyncadd.s32 $0xFFFFFFFF  }
0x1d: {  	s27 =	simm.s32 $execute0_lowered;
	[smem:$0x3FD2] =	sst s26  }
0x1e: {  	s4 =	sshll.u32 s27, $0x1;
	_ =	strace $0x80000046;
	[dreg:$0x1] =	wrdreg $0xFFFFFFFF  }
0x1f: {  	s28 =	simm.s32 $_size_execute0_lowered;
	s1 =	sadd.s32 s1, s4;
	[dreg:$0x0] =	wrdreg $0x0  }
0x20: {  	s4 =	sshll.u32 s28, $0x1;
	[dreg:$0x2] =	wrdreg s1  }
0x21: {  	[dreg:$0x3] =	wrdreg s4  }
0x22: {  	[dreg:$0x4] =	wrdreg $0xC0  }
0x23: {  	_ =	task [dreg:s6], $0x5FFFF  }
0x24: {  	[dreg:$0x1] =	wrdreg $0xFFFFFFFF  }
0x25: {  	[dreg:$0x0] =	wrdreg $0x60  }
0x26: {  	[dreg:$0x2] =	wrdreg s25  }
0x27: {  	[dreg:$0x3] =	wrdreg $0x9  }
0x28: {  	_ =	task.clear_ibuf [dreg:s6], $0x4FFFF;
	_ =	strace $0x90000046  }
0x29: {  	s29 =	simm.s32 $0x9;
	_ =	strace $0x80000048  }
0x2a: {  	_ =	swait.ge [sflag:s29], $0x1  }
0x2b: {  	[sflag:s29] =	ssyncadd.s32 $0xFFFFFFFF  }
0x2c: {  	_ =	strace $0x90000048  }
0x2d: {  	_ =	sfence  }
0x2e: {  	s30 =	sld [smem:$0x0];
	_ =	sdelay $0x2  }
0x2f: {  	s31 =	sshll.u32 s3, $0xD;
	s3 =	sshrl.u32 s3, $0x2  }
0x30: {  	s2 =	sand.u32 $0x4000, s31;
	s1 =	sadd.s32 s3, s30  }
0x31: {  	s0 =	sor.u32 s2, s0;
	s1 =	sshll.u32 s1, $0x11  }
0x32: {  	s0 =	sor.u32 s1, s0  }
0x33: {  	s0 =	sadd.s32 $0x8F2B, s0  }
0x34: {  	[sflag:s0] =	ssyncadd.remote.s32 $0x1  }
0x35: {  	_ =	sfence.sel $0xFFFF  }
0x36: {  	[dreg:$0x0] =	wrdreg $0xFFFFFFFF;
	(pc) =	sbr.abs _section_cstart, $3  }
0x37: {  	[dreg:$0x1] =	wrdreg $0xFFFFFFFF  }
0x38: {  	_ =	task.clear_ibuf [dreg:s6], $0x2FFFF;
	_ =	strace $0x9FFFFFFF  }
0x39: {  	(tm) =	ssettm $0x7FFFFFFF  }
tec
execute0_lowered:
.L_overlay_start_1:
0x0: {  	(tag) =	ssettag $0x1  }
0x1: {  	s0 =	srdreg.scid  }
0x2: {  	s1 =	sshll.u32 s0, $0x4  }
0x3: {  	s7 =	rddreg [dreg:$0x0];
	s0 =	stileid.u32;
	s1 =	sand.u32 $0x10, s1  }
0x4: {  	s31 =	simm.s32 $0x2;
	s14 =	simm.s32 $0x0;
	s8 =	sor.u32 s0, s1  }
0x5: {  	s13 =	simm.s32 $0x0;
	s12 =	simm.s32 $0x0;
	s2 =	sshll.u32 s8, $0x5  }
0x6: {  	s3 =	sadd.s32 $0x1A00, s7;
	s4 =	sshll.u32 s0, $0x7;
	s2 =	sand.u32 $0x380, s2  }
0x7: {  	s1 =	rddreg [dreg:$0x1];
	s4 =	sand.u32 $0x180, s4;
	s5 =	ssub.s32 $0x400, s2  }
0x8: {  	_ =	strace $0x80000047;
	s9 =	ssub.s32 $0x5080, s4;
	s6 =	sand.u32 $0x380, s5  }
0x9: {  	s9 =	sshrl.u32 s9, $0x9;
	p0 =	sne.s32 s6, $0x0;
	s6 =	simm.s32 $0x1  }
.Ltmp0:
0xa: {  	s10 =	sshrl.u32 s5, $0xA;
	s6 =	simm.s32 @!p0 $0x0;
	(pc) =	sbr.rel .LBB1_1-.Ltmp0, $4  }
0xb: {  	s9 =	sadd.s32 $0x1, s9;
	s5 =	simm.s32 $0x1;
	s6 =	sadd.s32 s6, s10  }
0xc: {  	s7 =	sadd.s32 $0x287A00, s7;
	[sflag:s5] =	ssyncpa.u1 $0x0;
	s6 =	smul.u32 s9, s6  }
0xd: {  	s8 =	sshll.u32 s8, $0x8;
	s11 =	smov.u32 s4;
	[sflag:s31] =	ssyncpa.u1 $0x0  }
0xe: {  	p0 =	por $0x0, $0x0;
	s10 =	simm.s32 $0x28800;
	s9 =	sadd.s32 $0x1, s6  }
.LBB1_4:
0xf: {  	s14 =	sshrl.u32 s14, $0x3  }
0x10: {  	s20 =	sshll.u32 s13, $0x3;
	s14 =	smul.u32 $0x28800, s14  }
0x11: {  	v5 =	vld [tilespmem:s18+$0xFFFFFFD0];
	[tilespmem:s17+$0x2040 ss:$0x81] =	vst.msk $0xffff, v4;
	s20 =	sand.u32 $0xFFFFFC00, s20  }
0x12: {  	v58 =	vld [tilespmem:s18+$0xFFFFFFE0];
	[tilespmem:s17+$0x2850 ss:$0x81] =	vst.msk $0xffff, v3;
	s30 =	sand.u32 $0x7F, s13;
	s14 =	sadd.s32 s20, s14  }
0x13: {  	s19 =	sshra.s32 s19, $0x2;
	v59 =	vld [tilespmem:s18+$0xFFFFFFF0];
	[tilespmem:s17+$0x3060 ss:$0x81] =	vst.msk $0xffff, v2;
	s13 =	sor.u32 s30, s14  }
0x14: {  	v60 =	vld [tilespmem:s18+$0x0];
	[tilespmem:s17+$0x0 ss:$0x81] =	vst.msk $0xffff, v0;
	s16 =	sadd.s32 s19, s16;
	s31 =	smulhi.u32 $0xCA4587E7, s13  }
0x15: {  	v61 =	vld [tilespmem:s18+$0x10];
	[tilespmem:s16+$0x3870 ss:$0x81] =	vst.msk $0xffff, v1  }
0x16: {  	v62 =	vld [tilespmem:s18+$0x20];
	s14 =	smulhi.u32 $0xCA4587E7, s14;
	[tilespmem:s16+$0x810 ss:$0x81] =	vst.msk $0xffff, v5;
	s17 =	sshrl.u32 s31, $0xE  }
0x17: {  	v63 =	vld [tilespmem:s18+$0xFFFFFFC0];
	[tilespmem:s16+$0x1020 ss:$0x81] =	vst.msk $0xffff, v58;
	s17 =	smul.u32 $0x5100, s17  }
0x18: {  	[tilespmem:s16+$0x1830 ss:$0x81] =	vst.msk $0xffff, v59;
	s14 =	sshrl.u32 s14, $0xE  }
0x19: {  	[tilespmem:s16+$0x2040 ss:$0x81] =	vst.msk $0xffff, v60;
	s14 =	sand.u32 $0x3FF, s14;
	s13 =	ssub.s32 s13, s17  }
0x1a: {  	[tilespmem:s16+$0x2850 ss:$0x81] =	vst.msk $0xffff, v61;
	s14 =	smul.u32 $0xA20, s14;
	s17 =	sshrl.u32 s13, $0x3;
	s13 =	sand.u32 $0x7, s13  }
0x1b: {  	[tilespmem:s16+$0x3060 ss:$0x81] =	vst.msk $0xffff, v62;
	s17 =	sadd.s32 s7, s17;
	s13 =	sshll.u32 s13, $0x12  }
0x1c: {  	[tilespmem:s16+$0x0 ss:$0x81] =	vst.msk $0xffff, v63;
	s14 =	sadd.s32 s14, s17;
	s13 =	sor.u32 $0x400, s13  }
0x1d: {  	[hbm4b:s14+s13] =	stream.strided.scatter [tilespmem:s15], [sflag:$0x2], $0x4000, s10, s13, $0x20;
	[tilespmem:$0x10100] =	vst v63  }
.LBB1_5:
0x1e: {  	s15 =	sadd.s32 $0x200, s11  }
0x1f: {  	p2 =	sgt.s32 s15, $0x50BD  }
0x20: {  	s15 =	smov.u32 @p2 s4;
	p2 =	sne.s32 s12, s9  }
.Ltmp1:
0x21: {  	p1 =	slt.u32 s12, $0x2;
	(pc) =	sbr.rel @!p2 .LBB1_6-.Ltmp1, $4  }
0x22: {  	s14 =	simm.s32 @!p1 $0x2  }
0x23: {  	s16 =	sadd.s32 $0x1, s12;
	s13 =	smov.u32 s11;
	_ =	swait.ge @!p1 [sflag:s14], $0x4000  }
0x24: {  	p0 =	por !p0, !p0;
	s12 =	smov.u32 s16;
	[sflag:s14] =	ssyncset.done @!p1 $0x0  }
0x25: {  	s11 =	smov.u32 s15;
	[sflag:s14] =	ssyncadd.s32 @!p1 $0xFFFFC000;
	s14 =	smov.u32 s2  }
.LBB1_1:
0x26: {  	p1 =	sge.u32 s12, s6  }
0x27: {  	s15 =	sshll.u32 @!p1 s11, $0xA  }
0x28: {  	s15 =	sand.u32 @!p1 $0xFFFFE000, s15  }
0x29: {  	s15 =	sor.u32 @!p1 s8, s15  }
0x2a: {  	s17 =	smov.u32 s11;
	p2 =	sgt.s32 @!p1 s11, $0x5040;
	s15 =	sshrl.u32 @!p1 s15, $0xA  }
0x2b: {  	s18 =	sshra.s32 @!p1 s11, $0x1F;
	p2 =	por !p2, p1;
	s16 =	smulhi.u32 @!p1 $0x6572ED, s15  }
0x2c: {  	s31 =	sadd.s32 $0xFFFFFFFF, s12;
	s18 =	sand.u32 @!p1 s18, s11;
	s17 =	simm.s32 @p2 $0x5040  }
0x2d: {  	s19 =	sxor.u32 @!p1 $0xFFFFFFFF, s12;
	s17 =	ssub.s32 @!p1 s17, s18;
	s16 =	sshrl.u32 @!p1 s16, $0x5  }
0x2e: {  	s18 =	sshll.u32 @!p1 s19, $0xE;
	s17 =	sadd.s32 @!p1 $0xFFFFAFC0, s17;
	s16 =	smul.u32 @!p1 $0x50C0, s16  }
0x2f: {  	s19 =	simm.s32 @!p1 $0x2000;
	s18 =	sand.u32 @!p1 $0x4000, s18;
	p2 =	sgt.s32 @!p1 s17, $0x7F  }
0x30: {  	s15 =	ssub.s32 @!p1 s15, s16;
	s16 =	sshll.u32 @!p1 s17, $0x7;
	s17 =	sshll.u32 @!p1 s11, $0x4  }
0x31: {  	p2 =	por !p2, p1;
	s16 =	ssub.s32 @!p1 $0x4000, s16;
	s17 =	sand.u32 @!p1 $0x70, s17  }
0x32: {  	s15 =	sshll.u32 @!p1 s15, $0x7;
	s16 =	sand.u32 @!p1 $0x3FFFFF80, s16;
	s17 =	sadd.s32 @!p1 s3, s17  }
0x33: {  	s16 =	simm.s32 @!p2 $0x0;
	s15 =	sadd.s32 @!p1 s15, s17;
	s17 =	simm.s32 @!p1 $0x400  }
0x34: {  	[tilespmem:s18], [sflag:$0x1] =	stream.strided.gather @!p1 [hbm4b:s15+s17], s16, s19, s17, $0x38;
	[tilespmem:$0x10100] =	vst v63  }
0x35: {  	p1 =	sge.u32 s31, s6  }
.Ltmp2:
0x36: {  	_ = 	snop;
	(pc) =	sbr.rel @p1 .LBB1_5-.Ltmp2, $1  }
0x37: {  	_ =	sdelay $0x3  }
0x38: {  	p1 =	sgt.s32 s13, $0x5040;
	s15 =	smov.u32 s13;
	s16 =	sshra.s32 s13, $0x1F  }
0x39: {  	s15 =	simm.s32 @!p1 $0x5040;
	s16 =	sand.u32 s16, s13  }
0x3a: {  	s15 =	ssub.s32 s15, s16  }
0x3b: {  	s15 =	sadd.s32 $0xFFFFAFC0, s15  }
0x3c: {  	s29 =	sshll.u32 s15, $0x7  }
0x3d: {  	s16 =	ssub.s32 $0x4000, s29  }
0x3e: {  	p1 =	sgt.s32 s15, $0x7F;
	s15 =	sand.u32 $0x3FFFFF80, s16  }
0x3f: {  	s16 =	simm.s32 $0x1;
	s15 =	simm.s32 @p1 $0x0  }
0x40: {  	s16 =	simm.s32 @!p0 $0x0;
	_ =	swait.ge [sflag:s5], s15  }
0x41: {  	s17 =	sshll.u32 s16, $0xE;
	s15 =	ssub.s32 $0x0, s15;
	[sflag:s5] =	ssyncset.done $0x0  }
0x42: {  	s18 =	sor.u32 $0x40, s17;
	[sflag:s5] =	ssyncadd.s32 s15  }
0x43: {  	s30 =	smul.u32 $0x10200, s16;
	v0 =	vld [tilespmem:s18+$0x30]  }
0x44: {  	v1 =	vld [tilespmem:s18+$0xFFFFFFD0]  }
0x45: {  	s15 =	sshrl.u32 s30, $0x2;
	v5 =	vld [tilespmem:s18+$0xFFFFFFE0]  }
0x46: {  	s16 =	sor.u32 $0x8000, s15;
	v6 =	vld [tilespmem:s18+$0xFFFFFFF0]  }
0x47: {  	s31 =	sand.u32 $0x1, s12;
	v4 =	vld [tilespmem:s18+$0x0];
	s17 =	sadd.s32 $0x0, s16  }
0x48: {  	s15 =	smul.u32 $0x10200, s31;
	v3 =	vld [tilespmem:s18+$0x10];
	[tilespmem:s17+$0x3870 ss:$0x81] =	vst.msk $0xffff, v0  }
0x49: {  	v2 =	vld [tilespmem:s18+$0x20];
	[tilespmem:s17+$0x810 ss:$0x81] =	vst.msk $0xffff, v1  }
0x4a: {  	s15 =	sshrl.u32 s15, $0x2;
	v0 =	vld [tilespmem:s18+$0xFFFFFFC0];
	[tilespmem:s17+$0x1020 ss:$0x81] =	vst.msk $0xffff, v5;
	s18 =	sadd.s32 $0x80, s18  }
0x4b: {  	s19 =	simm.s32 $0x4;
	s20 =	simm.s32 $0x8;
	s15 =	sor.u32 $0x8000, s15;
	[tilespmem:s17+$0x1830 ss:$0x81] =	vst.msk $0xffff, v6;
	v1 =	vld [tilespmem:s18+$0x30]  }
.LBB1_3:
0x4c: {  	p1 =	sne.s32 s20, $0x1FC;
	v5 =	vld [tilespmem:s18+$0xFFFFFFD0];
	[tilespmem:s17+$0x2040 ss:$0x81] =	vst.msk $0xffff, v4  }
0x4d: {  	v6 =	vld [tilespmem:s18+$0xFFFFFFE0];
	[tilespmem:s17+$0x2850 ss:$0x81] =	vst.msk $0xffff, v3  }
0x4e: {  	s21 =	sshra.s32 s19, $0x2;
	s19 =	smov.u32 s20;
	v7 =	vld [tilespmem:s18+$0xFFFFFFF0];
	[tilespmem:s17+$0x3060 ss:$0x81] =	vst.msk $0xffff, v2  }
.Ltmp3:
0x4f: {  	v4 =	vld [tilespmem:s18+$0x0];
	[tilespmem:s17+$0x0 ss:$0x81] =	vst.msk $0xffff, v0;
	s17 =	sadd.s32 s21, s16;
	(pc) =	sbr.rel @p1 .LBB1_3-.Ltmp3, $4  }
0x50: {  	v3 =	vld [tilespmem:s18+$0x10];
	[tilespmem:s17+$0x3870 ss:$0x81] =	vst.msk $0xffff, v1  }
0x51: {  	[tilespmem:s17+$0x810 ss:$0x81] =	vst.msk $0xffff, v5;
	v2 =	vld [tilespmem:s18+$0x20]  }
0x52: {  	v0 =	vld [tilespmem:s18+$0xFFFFFFC0];
	[tilespmem:s17+$0x1020 ss:$0x81] =	vst.msk $0xffff, v6;
	s18 =	sadd.s32 $0x80, s18  }
0x53: {  	s20 =	sadd.s32 $0x4, s20;
	v1 =	vld [tilespmem:s18+$0x30];
	[tilespmem:s17+$0x1830 ss:$0x81] =	vst.msk $0xffff, v7  }
.Ltmp4:
0x54: {  	_ = 	snop;
	(pc) =	sbr.rel .LBB1_4-.Ltmp4, $1  }
0x55: {  	_ =	sdelay $0x3  }
.LBB1_6:
0x56: {  	_ =	sfence.sel $0x180000  }
0x57: {  	s2 =	simm.s32 $0x1;
	[bflag:$0x0] =	sbarrier.arrive $0xFFFF  }
0x58: {  	s31 =	simm.s32 $0x2;
	[sflag:s2] =	ssyncpa.u1 $0x1  }
0x59: {  	[sflag:s31] =	ssyncpa.u1 $0x1  }
0x5a: {  	p0 =	sne.s32 s0, $0x0;
	_ =	strace $0x90000047  }
0x5b: {  	s0 =	sadd.s32 @!p0 $0x100000, s1;
	[bflag:$0x2] =	sbarrier.arrive $0xFFFF  }
0x5c: {  	[sflag:s0] =	ssyncadd.tile.s32 @!p0 $0x1;
	_ =	shalt  }
.Lfunc_end1:
_tile_overlayer_lowered:
.L_overlay_start_2:
0x5d: {  	(tag) =	ssettag $0x2  }
0x5e: {  	s0 =	rddreg [dreg:$0x0];
	s2 =	stileid.u32  }
0x5f: {  	s1 =	rddreg [dreg:$0x1];
	p0 =	sne.s32 s2, $0x0  }
0x60: {  	s3 =	rddreg [dreg:$0x2];
	[bflag:$0x3] =	sbarrier.arrive $0xFFFF;
	s2 =	simm.s32 @!p0 $0x1C01  }
0x61: {  	[timem:s3], [sflag:s2] =	dma.local @!p0 [hbm:s0], s1  }
0x62: {  	s0 =	simm.s32 @!p0 $0x1  }
0x63: {  	_ =	swait.ge @!p0 [sflag:s0], s1  }
0x64: {  	s1 =	ssub.s32 @!p0 $0x0, s1;
	[sflag:s0] =	ssyncset.done @!p0 $0x0  }
0x65: {  	[sflag:s0] =	ssyncadd.s32 @!p0 s1  }
0x66: {  	[bflag:$0x3] =	sbarrier.arrive $0xFFFF  }
0x67: {  	_ =	shalt  }

// kernel: sparse-core-data-format-call.cloned.1.call-start
scs
called_computation_lowered:
.L_overlay_start_0:
0x0: {  	s2 =	sld [smem:$0x3FD9]  }
0x1: {  	s3 =	sld [smem:$0x3FFE];
	_ =	sdelay $0x1  }
0x2: {  	s1 =	srdreg.scid  }
0x3: {  	s0 =	sand.u32 $0x1, s1  }
0x4: {  	s18 =	sshll.u32 s0, $0xA;
	s2 =	sadd.s32 s3, s2  }
0x5: {  	s2 =	sadd.s32 s2, s18  }
0x6: {  	[smem:$0x3FC5] =	sst s2  }
0x7: {  	_ = 	snop  }
0x8: {  	s2 =	sld [smem:$0x3FD0];
	(tm) =	ssettm $0x1  }
0x9: {  	s19 =	sld [smem:$0x3FFB];
	_ =	sdelay $0x3  }
0xa: {  	_ =	strace s19  }
0xb: {  	s3 =	sld [smem:$0x3FFC];
	_ =	sdelay $0x3  }
0xc: {  	_ =	strace s3  }
0xd: {  	s3 =	sld [smem:$0x3FFD];
	_ =	sdelay $0x3  }
0xe: {  	_ =	strace s3  }
0xf: {  	_ =	strace $0x8FFFFFFF  }
0x10: {  	s20 =	sld [smem:$0x3FDB];
	_ =	sdelay $0x1  }
0x11: {  	s4 =	simm.s32 $_scs_section_size  }
0x12: {  	s5 =	simm.s32 $_size__tile_overlayer_lowered;
	s6 =	simm.s32 $_tile_overlayer_lowered  }
0x13: {  	s23 =	simm.s32 $0x1BFF;
	s22 =	sshll.u32 s6, $0x1;
	s3 =	sadd.s32 s4, s20  }
0x14: {  	s7 =	simm.s32 $0x0;
	s21 =	sshll.u32 s5, $0x1;
	s5 =	sadd.s32 s22, s3  }
0x15: {  	[timem:s7], [sflag:s23] =	dma.local [hbm:s5], s21  }
0x16: {  	_ =	swait.ge [sflag:s23], s21  }
0x17: {  	s4 =	ssub.s32 $0x0, s21;
	[sflag:s23] =	ssyncset.done $0x0  }
0x18: {  	[sflag:s23] =	ssyncadd.s32 s4;
	_ =	sdelay $0x1  }
0x19: {  	s24 =	simm.s32 $0x1B8B  }
0x1a: {  	_ =	swait.ge [sflag:s24], $0x1  }
0x1b: {  	[sflag:s24] =	ssyncset.done $0x0  }
0x1c: {  	s26 =	simm.s32 $0x1B8E;
	s25 =	sld [smem:$0x3FFE];
	[sflag:s24] =	ssyncadd.s32 $0xFFFFFFFF  }
0x1d: {  	s27 =	simm.s32 $execute0_lowered;
	[smem:$0x3FD2] =	sst s26  }
0x1e: {  	s5 =	sshll.u32 s27, $0x1;
	_ =	strace $0x8000004F;
	[dreg:$0x1] =	wrdreg $0xFFFFFFFF  }
0x1f: {  	s28 =	simm.s32 $_size_execute0_lowered;
	s3 =	sadd.s32 s3, s5;
	[dreg:$0x0] =	wrdreg $0x0  }
0x20: {  	s5 =	sshll.u32 s28, $0x1;
	[dreg:$0x2] =	wrdreg s3  }
0x21: {  	[dreg:$0x3] =	wrdreg s5  }
0x22: {  	[dreg:$0x4] =	wrdreg $0xC0  }
0x23: {  	_ =	task [dreg:s7], $0x5FFFF  }
0x24: {  	[dreg:$0x1] =	wrdreg $0xFFFFFFFF  }
0x25: {  	[dreg:$0x0] =	wrdreg $0x60  }
0x26: {  	[dreg:$0x2] =	wrdreg s25  }
0x27: {  	[dreg:$0x3] =	wrdreg s2  }
0x28: {  	[dreg:$0x4] =	wrdreg $0x9  }
0x29: {  	_ =	task.clear_ibuf [dreg:s7], $0x5FFFF;
	_ =	strace $0x9000004F  }
0x2a: {  	s29 =	simm.s32 $0x9;
	_ =	strace $0x80000051  }
0x2b: {  	_ =	swait.ge [sflag:s29], $0x1  }
0x2c: {  	[sflag:s29] =	ssyncadd.s32 $0xFFFFFFFF  }
0x2d: {  	_ =	strace $0x90000051  }
0x2e: {  	_ =	sfence  }
0x2f: {  	s30 =	sld [smem:$0x0];
	_ =	sdelay $0x2  }
0x30: {  	s31 =	sshll.u32 s1, $0xD;
	s1 =	sshrl.u32 s1, $0x2  }
0x31: {  	s3 =	sand.u32 $0x4000, s31;
	s1 =	sadd.s32 s1, s30  }
0x32: {  	s0 =	sor.u32 s3, s0;
	s1 =	sshll.u32 s1, $0x11  }
0x33: {  	s0 =	sor.u32 s1, s0  }
0x34: {  	s0 =	sadd.s32 $0x8F2B, s0  }
0x35: {  	[sflag:s0] =	ssyncadd.remote.s32 $0x1  }
0x36: {  	_ =	sfence.sel $0xFFFF  }
0x37: {  	[dreg:$0x0] =	wrdreg $0xFFFFFFFF;
	(pc) =	sbr.abs _section_cstart, $3  }
0x38: {  	[dreg:$0x1] =	wrdreg $0xFFFFFFFF  }
0x39: {  	_ =	task.clear_ibuf [dreg:s7], $0x2FFFF;
	_ =	strace $0x9FFFFFFF  }
0x3a: {  	(tm) =	ssettm $0x7FFFFFFF  }
0x3b: {  	_ =	shalt  }
tec
execute0_lowered:
.L_overlay_start_1:
0x0: {  	(tag) =	ssettag $0x1  }
0x1: {  	s0 =	srdreg.scid  }
0x2: {  	s2 =	stileid.u32;
	s1 =	rddreg [dreg:$0x0]  }
0x3: {  	_ =	strace $0x80000050;
	s31 =	simm.s32 $0x2;
	s19 =	simm.s32 $0x0  }
0x4: {  	s10 =	simm.s32 $0x400;
	s11 =	simm.s32 $0x2000;
	s0 =	sshll.u32 s0, $0x4  }
0x5: {  	s12 =	simm.s32 $0x0;
	s18 =	simm.s32 $0x0;
	s0 =	sand.u32 $0x10, s0  }
0x6: {  	s20 =	simm.s32 $0x0;
	s13 =	simm.s32 $0x0;
	s0 =	sor.u32 s2, s0  }
0x7: {  	s14 =	simm.s32 $0x0;
	s2 =	sshll.u32 s2, $0x7;
	s4 =	sshll.u32 s0, $0x5  }
0x8: {  	s15 =	simm.s32 $0x0;
	s3 =	sand.u32 $0x180, s2;
	s4 =	sand.u32 $0x380, s4  }
0x9: {  	s17 =	simm.s32 $0x0;
	s5 =	ssub.s32 $0x2880, s3;
	s6 =	ssub.s32 $0x400, s4  }
0xa: {  	s0 =	sshll.u32 s0, $0x4;
	s5 =	sshrl.u32 s5, $0x9;
	s7 =	sand.u32 $0x380, s6  }
0xb: {  	s8 =	smul.u32 $0x3, s5;
	p0 =	sne.s32 s7, $0x0;
	s7 =	simm.s32 $0x1  }
.Ltmp0:
0xc: {  	s6 =	sshrl.u32 s6, $0xA;
	s7 =	simm.s32 @!p0 $0x0;
	(pc) =	sbr.rel .LBB1_1-.Ltmp0, $4  }
0xd: {  	s5 =	simm.s32 $0x1;
	s30 =	sadd.s32 $0x3, s8;
	s6 =	sadd.s32 s7, s6  }
0xe: {  	s0 =	sand.u32 $0x180, s0;
	[sflag:s5] =	ssyncpa.u1 $0x0;
	s6 =	smul.u32 s30, s6  }
0xf: {  	s16 =	smov.u32 s3;
	s0 =	sadd.s32 s0, s1;
	[sflag:s31] =	ssyncpa.u1 $0x0  }
0x10: {  	s8 =	sadd.s32 $0x8DD200, s0;
	s7 =	sand.u32 $0x200, s2;
	s9 =	sadd.s32 $0x1, s6  }
.LBB1_9:
0x11: {  	s0 =	sshll.u32 s14, $0xA;
	s1 =	sshll.u32 s20, $0x3;
	p0 =	sgt.s32 s13, $0x2  }
0x12: {  	s2 =	smov.u32 s13;
	p1 =	sgt.s32 s14, $0x2870;
	s20 =	smov.u32 s14  }
0x13: {  	s27 =	smul.u32 $0x147800, s13;
	s29 =	sshll.u32 s14, $0x4;
	s0 =	sand.u32 $0xFFFFE000, s0  }
0x14: {  	s31 =	rddreg [dreg:$0x1];
	s2 =	simm.s32 @!p0 $0x2;
	s0 =	sor.u32 s0, s1  }
0x15: {  	s20 =	simm.s32 @!p1 $0x2870;
	s2 =	sadd.s32 s22, s2;
	s0 =	sshrl.u32 s0, $0xA  }
0x16: {  	s20 =	sadd.s32 s21, s20;
	s25 =	sadd.s32 $0xFFFFFFFE, s2;
	s24 =	smulhi.u32 $0x320709, s0  }
0x17: {  	s20 =	sadd.s32 $0xFFFFD790, s20;
	s2 =	ssub.s32 $0x3, s2;
	p0 =	sgt.s32 s25, $0x0  }
0x18: {  	s26 =	sshll.u32 s20, $0x7;
	s2 =	simm.s32 @p0 $0x0;
	s1 =	sshrl.u32 s24, $0x3  }
0x19: {  	p0 =	sgt.s32 s20, $0x7F;
	s20 =	ssub.s32 $0x4000, s26;
	s1 =	smul.u32 $0x28F0, s1  }
0x1a: {  	s30 =	sshll.u32 s17, $0xE;
	s21 =	sadd.s32 s31, s27;
	s20 =	simm.s32 @p0 $0x0  }
0x1b: {  	s28 =	smul.u32 s2, s20;
	s2 =	sand.u32 $0x70, s29;
	s0 =	ssub.s32 s0, s1  }
0x1c: {  	s20 =	sand.u32 $0x4000, s30;
	s2 =	sadd.s32 s2, s21;
	s0 =	sshll.u32 s0, $0x7  }
0x1d: {  	s20 =	sor.u32 $0x8000, s20;
	s1 =	sand.u32 $0x3FFFFF80, s28;
	s0 =	sadd.s32 s0, s2  }
0x1e: {  	[hbm4b:s0+s10] =	stream.strided.scatter [tilespmem:s20], [sflag:$0x2], s1, s11, s10, $0x38;
	[tilespmem:$0x10000] =	vst v63  }
.LBB1_10:
0x1f: {  	p0 =	slt.u32 s17, $0x2  }
0x20: {  	p1 =	sgt.s32 @!p0 s19, $0x2  }
0x21: {  	s0 =	smov.u32 s19;
	s2 =	smov.u32 s18;
	p1 =	por !p1, p0  }
0x22: {  	s1 =	sshra.s32 @!p0 s19, $0x1F;
	s0 =	simm.s32 @p1 $0x2;
	p1 =	sgt.s32 @!p0 s18, $0x2870  }
0x23: {  	s1 =	sand.u32 @!p0 s1, s19;
	s19 =	sshra.s32 @!p0 s18, $0x1F;
	p1 =	por !p1, p0  }
0x24: {  	s0 =	ssub.s32 @!p0 s0, s1;
	s1 =	sand.u32 @!p0 s19, s18;
	s2 =	simm.s32 @p1 $0x2870  }
0x25: {  	s1 =	ssub.s32 @!p0 s2, s1  }
0x26: {  	s18 =	sadd.s32 @!p0 $0xFFFFFFFE, s0;
	s0 =	ssub.s32 @!p0 $0x3, s0;
	s1 =	sadd.s32 @!p0 $0xFFFFD790, s1  }
0x27: {  	p1 =	sgt.s32 @!p0 s18, $0x0;
	p2 =	sgt.s32 @!p0 s1, $0x7F;
	s1 =	sshll.u32 @!p0 s1, $0x7  }
0x28: {  	p1 =	por !p1, p0;
	s1 =	ssub.s32 @!p0 $0x4000, s1;
	p2 =	por !p2, p0  }
0x29: {  	s0 =	simm.s32 @!p1 $0x0;
	s1 =	simm.s32 @!p2 $0x0  }
0x2a: {  	s0 =	smul.u32 @!p0 s0, s1;
	s1 =	sadd.s32 $0x1, s15  }
0x2b: {  	s21 =	smov.u32 s16;
	s18 =	sadd.s32 $0x200, s16;
	p1 =	sgt.s32 s1, $0x2  }
0x2c: {  	s21 =	smov.u32 @p1 s18  }
0x2d: {  	s1 =	simm.s32 @p1 $0x0;
	p1 =	sgt.s32 s21, $0x28EA  }
0x2e: {  	s12 =	sadd.s32 $0x4000, s12;
	s21 =	smov.u32 @p1 s3;
	p1 =	sne.s32 s17, s9  }
.Ltmp1:
0x2f: {  	s20 =	smov.u32 s4;
	s19 =	smov.u32 s13;
	(pc) =	sbr.rel @!p1 .LBB1_11-.Ltmp1, $4  }
0x30: {  	s13 =	smov.u32 s15;
	s2 =	simm.s32 @!p0 $0x2;
	s0 =	sand.u32 @!p0 $0x3FFFFF80, s0  }
0x31: {  	s18 =	smov.u32 s14;
	s14 =	smov.u32 s16;
	_ =	swait.ge @!p0 [sflag:s2], s0  }
0x32: {  	s0 =	ssub.s32 @!p0 $0x0, s0;
	s15 =	smov.u32 s1;
	[sflag:s2] =	ssyncset.done @!p0 $0x0  }
0x33: {  	s17 =	sadd.s32 $0x1, s17;
	[sflag:s2] =	ssyncadd.s32 @!p0 s0;
	s16 =	smov.u32 s21  }
.LBB1_1:
0x34: {  	p0 =	sge.u32 s17, s6  }
0x35: {  	p1 =	sgt.s32 @!p0 s16, $0x286B  }
0x36: {  	s0 =	smov.u32 s16;
	s2 =	smov.u32 s15;
	p1 =	por !p1, p0  }
0x37: {  	s1 =	sshra.s32 @!p0 s16, $0x1F;
	s0 =	simm.s32 @p1 $0x286B;
	p1 =	sgt.s32 @!p0 s15, $0x3  }
0x38: {  	s21 =	sshra.s32 @!p0 s15, $0x1F;
	s1 =	sand.u32 @!p0 s1, s16;
	p1 =	por !p1, p0  }
0x39: {  	s0 =	ssub.s32 @!p0 s0, s1;
	s1 =	sand.u32 @!p0 s21, s15;
	s2 =	simm.s32 @p1 $0x3  }
0x3a: {  	s31 =	sadd.s32 $0xFFFFFFFF, s17;
	s0 =	sadd.s32 @!p0 $0xFFFFD795, s0;
	s1 =	ssub.s32 @!p0 s2, s1  }
0x3b: {  	s2 =	sxor.u32 @!p0 $0xFFFFFFFF, s17;
	p1 =	sgt.s32 @!p0 s0, $0x7F;
	s21 =	sadd.s32 @!p0 $0xFFFFFFFD, s1  }
0x3c: {  	s0 =	sshll.u32 @!p0 s0, $0x7;
	s1 =	ssub.s32 @!p0 $0x4, s1;
	p2 =	sgt.s32 @!p0 s21, $0x0  }
0x3d: {  	s0 =	ssub.s32 @!p0 $0x4000, s0;
	p1 =	por !p1, p0;
	p2 =	por !p2, p0  }
0x3e: {  	s21 =	sshll.u32 @!p0 s15, $0x7;
	s0 =	simm.s32 @!p1 $0x0;
	s1 =	simm.s32 @!p2 $0x0  }
0x3f: {  	s2 =	sshll.u32 @!p0 s2, $0xE;
	s21 =	sand.u32 @!p0 $0x180, s21;
	s0 =	smul.u32 @!p0 s1, s0  }
0x40: {  	s1 =	sand.u32 @!p0 $0x4000, s2;
	s2 =	sor.u32 @!p0 s7, s21;
	s21 =	sshll.u32 @!p0 s16, $0x9  }
0x41: {  	s22 =	simm.s32 @!p0 $0x1000;
	s2 =	sshrl.u32 @!p0 s2, $0x3;
	s21 =	sadd.s32 @!p0 s21, s8  }
0x42: {  	s0 =	sand.u32 @!p0 $0x3FFFFF80, s0;
	s2 =	sadd.s32 @!p0 s2, s21;
	s21 =	simm.s32 @!p0 $0x80  }
0x43: {  	[tilespmem:s1], [sflag:$0x1] =	stream.strided.gather @!p0 [hbm4b:s2+s21], s0, s22, s21, $0x38;
	[tilespmem:$0x10000] =	vst v63  }
0x44: {  	p0 =	sge.u32 s31, s6  }
.Ltmp2:
0x45: {  	_ = 	snop;
	(pc) =	sbr.rel @p0 .LBB1_10-.Ltmp2, $1  }
0x46: {  	_ =	sdelay $0x3  }
0x47: {  	s0 =	ssub.s32 $0x0, s14  }
0x48: {  	s1 =	sshra.s32 s14, $0x1F;
	p0 =	sgt.s32 s14, $0x286B;
	s2 =	smov.u32 s14  }
0x49: {  	s28 =	ssub.s32 $0x0, s13;
	s21 =	sand.u32 s0, s1;
	s2 =	simm.s32 @!p0 $0x286B  }
0x4a: {  	s29 =	sshra.s32 s13, $0x1F;
	s23 =	smov.u32 s13;
	s2 =	sadd.s32 s21, s2  }
0x4b: {  	s24 =	sadd.s32 $0x1, s13;
	p0 =	sgt.s32 s13, $0x3;
	s30 =	sadd.s32 $0xFFFFD795, s2  }
0x4c: {  	s22 =	sand.u32 s28, s29;
	s23 =	simm.s32 @!p0 $0x3;
	s0 =	sshll.u32 s30, $0x7  }
0x4d: {  	s2 =	sadd.s32 $0x80, s14;
	p0 =	sgt.s32 s30, $0x7F;
	s0 =	ssub.s32 $0x4000, s0  }
0x4e: {  	s1 =	sadd.s32 s22, s23;
	s0 =	simm.s32 @p0 $0x0;
	p0 =	slt.s32 s2, $0x28EB  }
0x4f: {  	s31 =	sadd.s32 $0xFFFFFFFD, s1;
	s2 =	simm.s32 @!p0 $0x28EB;
	p0 =	slt.s32 s24, $0x3  }
0x50: {  	s1 =	ssub.s32 $0x4, s1;
	s23 =	ssub.s32 s2, s14;
	s24 =	simm.s32 @!p0 $0x3  }
0x51: {  	p1 =	sgt.s32 s31, $0x0;
	s24 =	ssub.s32 s24, s13;
	p0 =	slt.s32 s23, $0x1  }
0x52: {  	s1 =	simm.s32 @p1 $0x0;
	p1 =	slt.s32 @!p0 s24, $0x1  }
0x53: {  	s0 =	smul.u32 s1, s0;
	p0 =	por p0, p1  }
.Ltmp3:
0x54: {  	_ = 	snop;
	(pc) =	sbr.rel @p0 .LBB1_9-.Ltmp3, $4  }
0x55: {  	s0 =	sand.u32 $0x3FFFFF80, s0  }
0x56: {  	_ =	swait.ge [sflag:s5], s0  }
0x57: {  	s0 =	ssub.s32 $0x0, s0;
	[sflag:s5] =	ssyncset.done $0x0  }
0x58: {  	[sflag:s5] =	ssyncadd.s32 s0  }
0x59: {  	s0 =	sshll.u32 s12, $0x2  }
0x5a: {  	s0 =	sand.u32 $0x10000, s0  }
0x5b: {  	s25 =	sshrl.u32 s0, $0x2  }
0x5c: {  	s27 =	simm.s32 $0x0;
	s28 =	simm.s32 $0x0;
	s26 =	sor.u32 $0x8000, s25  }
.LBB1_4:
0x5d: {  	s0 =	sand.u32 $0x3F80, s27  }
0x5e: {  	s30 =	simm.s32 $0x0;
	s31 =	simm.s32 $0x0;
	s2 =	sadd.s32 s0, s26  }
.LBB1_5:
0x5f: {  	s0 =	sand.u32 $0x3, s30  }
0x60: {  	s0 =	sadd.s32 s0, s28  }
0x61: {  	s0 =	sshll.u32 s0, $0x9  }
0x62: {  	s0 =	sshra.s32 s0, $0x2  }
0x63: {  	s29 =	smov.u32 s2;
	s1 =	sadd.s32 s0, s25;
	s0 =	simm.s32 $0xFFFFFFF0  }
.LBB1_6:
0x64: {  	s0 =	sadd.s32 $0x10, s0  }
0x65: {  	v0 =	vld [tilespmem:s1+$0x0];
	p0 =	slt.u32 s0, $0x70  }
.Ltmp4:
0x66: {  	_ = 	snop;
	(pc) =	sbr.rel @p0 .LBB1_6-.Ltmp4, $2  }
0x67: {  	_ =	sdelay $0x2  }
0x68: {  	s1 =	sadd.s32 $0x10, s1;
	[tilespmem:s29+$0x0] =	vst v0;
	s29 =	sadd.s32 $0x10, s29  }
0x69: {  	s31 =	sadd.s32 $0x1, s31  }
0x6a: {  	p0 =	sne.s32 s31, s24  }
.Ltmp5:
0x6b: {  	_ = 	snop;
	(pc) =	sbr.rel @p0 .LBB1_5-.Ltmp5, $2  }
0x6c: {  	_ =	sdelay $0x2  }
0x6d: {  	s2 =	sadd.s32 $0x4000, s2;
	s30 =	sadd.s32 $0x1, s30  }
0x6e: {  	s28 =	sadd.s32 $0x1, s28  }
0x6f: {  	p0 =	sne.s32 s28, s23  }
.Ltmp6:
0x70: {  	_ = 	snop;
	(pc) =	sbr.rel @p0 .LBB1_4-.Ltmp6, $4  }
.Ltmp7:
0x71: {  	_ = 	snop;
	(pc) =	sbr.rel @!p0 .LBB1_9-.Ltmp7, $4  }
0x72: {  	_ = 	snop  }
0x73: {  	_ = 	snop  }
0x74: {  	s27 =	sadd.s32 $0x80, s27  }
0x75: {  	_ = 	snop  }
.LBB1_11:
0x76: {  	_ =	sfence.sel $0x180000  }
0x77: {  	s0 =	simm.s32 $0x1;
	[bflag:$0x0] =	sbarrier.arrive $0xFFFF  }
0x78: {  	s30 =	simm.s32 $0x2;
	[sflag:s0] =	ssyncpa.u1 $0x1  }
0x79: {  	[sflag:s30] =	ssyncpa.u1 $0x1  }
0x7a: {  	_ =	strace $0x90000050  }
0x7b: {  	s31 =	stileid.u32;
	[bflag:$0x2] =	sbarrier.arrive $0xFFFF  }
0x7c: {  	p0 =	sne.s32 s31, $0x0;
	s0 =	rddreg [dreg:$0x2]  }
0x7d: {  	s0 =	sadd.s32 @!p0 $0x100000, s0  }
0x7e: {  	[sflag:s0] =	ssyncadd.tile.s32 @!p0 $0x1;
	_ =	shalt  }
.Lfunc_end1:
_tile_overlayer_lowered:
.L_overlay_start_2:
0x7f: {  	(tag) =	ssettag $0x2  }
0x80: {  	s0 =	rddreg [dreg:$0x0];
	s2 =	stileid.u32  }
0x81: {  	s1 =	rddreg [dreg:$0x1];
	p0 =	sne.s32 s2, $0x0  }
0x82: {  	s3 =	rddreg [dreg:$0x2];
	[bflag:$0x3] =	sbarrier.arrive $0xFFFF;
	s2 =	simm.s32 @!p0 $0x1C01  }
0x83: {  	[timem:s3], [sflag:s2] =	dma.local @!p0 [hbm:s0], s1  }
0x84: {  	s0 =	simm.s32 @!p0 $0x1  }
0x85: {  	_ =	swait.ge @!p0 [sflag:s0], s1  }
0x86: {  	s1 =	ssub.s32 @!p0 $0x0, s1;
	[sflag:s0] =	ssyncset.done @!p0 $0x0  }
0x87: {  	[sflag:s0] =	ssyncadd.s32 @!p0 s1  }
0x88: {  	[bflag:$0x3] =	sbarrier.arrive $0xFFFF  }
0x89: {  	_ =	shalt  }

</sc_bundles>
